<compile_context>
chip_gen: v7x
topology: tpu7x:2x2x1
jax: 0.10.2.dev20260603
libtpu: 0.0.44.dev20260713+nightly
codegen_flags: <defaults>
</compile_context>

<pallas_src>
import functools

import jax
import jax.numpy as jnp
from jax import lax
from jax.experimental import pallas as pl
from jax.experimental.pallas import tpu as pltpu
from jax.experimental.pallas import tpu_sc as plsc

_NUM_CORES = 2
_NUM_SUBCORES = 16
_NW = _NUM_CORES * _NUM_SUBCORES
_L = 16

_C = 2048
_UNROLL = 8


def _make_sc_gather(n_rows: int, n_cols: int):
    assert n_rows == 9
    chunk = -(-n_cols // _NW)
    chunk = -(-chunk // 128) * 128
    assert (n_cols - chunk) % 128 == 0
    nb = -(-chunk // _C)
    nb += nb % 2
    last = chunk - _C
    assert chunk <= n_cols and last % 128 == 0 and nb >= 4

    mesh = plsc.VectorSubcoreMesh(
        core_axis_name="c", subcore_axis_name="s", num_cores=_NUM_CORES
    )

    @functools.partial(
        pl.kernel,
        out_type=jax.ShapeDtypeStruct((n_rows, n_cols), jnp.float32),
        mesh=mesh,
        scratch_types=[
            pltpu.VMEM((_L,), jnp.float32),
            [pltpu.VMEM((8, _C), jnp.int32)] * 2,
            [pltpu.VMEM((1, _C), jnp.int32)] * 2,
            [pltpu.VMEM((8, _C), jnp.float32)] * 2,
            [pltpu.VMEM((1, _C), jnp.float32)] * 2,
            [pltpu.SemaphoreType.DMA] * 2,
            [pltpu.SemaphoreType.DMA] * 2,
        ],
        compiler_params=pltpu.CompilerParams(needs_layout_passes=False),
    )
    def sc_gather(w_hbm, idx_hbm, out_hbm, wv, ib8, ib1, ob8, ob1, isem, osem):
        wid = lax.axis_index("s") * _NUM_CORES + lax.axis_index("c")
        base = jnp.minimum(wid * chunk, n_cols - chunk)

        def c0(b):
            return base + jnp.minimum(b * _C, last)

        def in_at(b):
            c = c0(b)
            return (
                idx_hbm.at[pl.ds(0, 8), pl.ds(c, _C)],
                idx_hbm.at[pl.ds(8, 1), pl.ds(c, _C)],
            )

        def out_at(b):
            c = c0(b)
            return (
                out_hbm.at[pl.ds(0, 8), pl.ds(c, _C)],
                out_hbm.at[pl.ds(8, 1), pl.ds(c, _C)],
            )

        def start_in(b, p):
            s8, s1 = in_at(b)
            pltpu.async_copy(s8, ib8[p], isem[p])
            pltpu.async_copy(s1, ib1[p], isem[p])

        def wait_in(b, p):
            s8, s1 = in_at(b)
            pltpu.make_async_copy(s8, ib8[p], isem[p]).wait()
            pltpu.make_async_copy(s1, ib1[p], isem[p]).wait()

        def start_out(b, p):
            d8, d1 = out_at(b)
            pltpu.async_copy(ob8[p], d8, osem[p])
            pltpu.async_copy(ob1[p], d1, osem[p])

        def wait_out(b, p):
            d8, d1 = out_at(b)
            pltpu.make_async_copy(ob8[p], d8, osem[p]).wait()
            pltpu.make_async_copy(ob1[p], d1, osem[p]).wait()

        start_in(0, 0)
        start_in(1, 1)
        pltpu.sync_copy(w_hbm, wv.at[pl.ds(0, 9)])

        def gather_block(p):
            @plsc.parallel_loop(0, _C, _L, unroll=2)
            def _(o):
                for r in range(8):
                    idx = ib8[p][r, pl.ds(o, _L)]
                    ob8[p][r, pl.ds(o, _L)] = plsc.load_gather(wv, [idx])
                idx1 = ib1[p][0, pl.ds(o, _L)]
                ob1[p][0, pl.ds(o, _L)] = plsc.load_gather(wv, [idx1])

        def bb_body(bb, _):
            b = bb * 2
            for p in range(2):
                @pl.when(bb > 0)
                def _():
                    wait_out(b + p - 2, p)

                wait_in(b + p, p)
                gather_block(p)
                start_out(b + p, p)

                @pl.when(bb < nb // 2 - 1)
                def _():
                    start_in(b + p + 2, p)

            return _

        lax.fori_loop(0, nb // 2, bb_body, None, unroll=False)

        for p in range(2):
            wait_out(nb - 2 + p, p)

    return sc_gather


def kernel(weight, indices):
    it = indices.T
    out_t = _make_sc_gather(*it.shape)(weight, it)
    return out_t.T

# --- scband reference (transcript-rebuilt; emitter-appended) ---
"""Pipeline reference for scband-permutation-closed-structure-19825569038817 (READ-ONLY COPY).

The authoritative reference and input builder live on the scoring server;
editing this copy changes nothing except your own understanding.
"""

import jax, jax.numpy as jnp
import numpy as np
import itertools

K = 9


def setup_inputs(seed: int = 0) -> dict:
    key = jax.random.key(seed)
    # learned parameter: weightParameter of length k (torch.randn(k))
    weight = jax.random.normal(key, (K,), dtype=jnp.float32)
    # n_list is None and randn weights are distinct with prob 1, so
    # multiset_permutations(weightList) == all k! permutations, and the
    # np.isclose index-recovery step reduces to the permutation of range(k).
    perms = np.array(list(itertools.permutations(range(K))), dtype=np.int32)
    indices = jnp.asarray(perms)  # [k!, k] = [362880, 9]
    return {"weight": weight, "indices": indices}


def reference(weight, indices):
    # forward: self.weightParameter[self.indices] -> gather rows from tiny param
    return jnp.take(weight, indices, axis=0)

if __name__ == "__main__":
    import jax
    _d = setup_inputs()
    print(jax.jit(kernel)(*tuple(_d.values())))

</pallas_src>

<mosaic_0001>
#map = affine_map<(d0, d1) -> (0)>
#map1 = affine_map<(d0, d1) -> (0, 0)>
module attributes {stable_mosaic.version = 14 : i64} {
  func.func @sc_gather(%arg0: i32, %arg1: i32, %arg2: memref<9xf32, #tpu.memory_space<hbm>>, %arg3: memref<9x362880xi32, #tpu.memory_space<hbm>>, %arg4: memref<9x362880xf32, #tpu.memory_space<hbm>>, %arg5: memref<16xf32, #tpu.memory_space<vmem>>, %arg6: memref<8x2048xi32, #tpu.memory_space<vmem>>, %arg7: memref<8x2048xi32, #tpu.memory_space<vmem>>, %arg8: memref<1x2048xi32, #tpu.memory_space<vmem>>, %arg9: memref<1x2048xi32, #tpu.memory_space<vmem>>, %arg10: memref<8x2048xf32, #tpu.memory_space<vmem>>, %arg11: memref<8x2048xf32, #tpu.memory_space<vmem>>, %arg12: memref<1x2048xf32, #tpu.memory_space<vmem>>, %arg13: memref<1x2048xf32, #tpu.memory_space<vmem>>, %arg14: memref<!tpu.dma_semaphore, #tpu.memory_space<semaphore_mem>>, %arg15: memref<!tpu.dma_semaphore, #tpu.memory_space<semaphore_mem>>, %arg16: memref<!tpu.dma_semaphore, #tpu.memory_space<semaphore_mem>>, %arg17: memref<!tpu.dma_semaphore, #tpu.memory_space<semaphore_mem>>) attributes {dimension_semantics = [#tpu.dimension_semantics<core_parallel>, #tpu.dimension_semantics<subcore_parallel>], iteration_bounds = array<i64: 2, 16>, scalar_prefetch = 0 : i64, scratch_operands = 13 : i64, tpu.core_type = #tpu.core_type<sc_vector_subcore>, window_params = [{transform_indices = #map}, {transform_indices = #map1}, {transform_indices = #map1}]} {
    %mul3A = arith.constant 2 : i32
    %mul3A_0 = arith.muli %arg1, %mul3A : i32
    %add3A = arith.addi %mul3A_0, %arg0 : i32
    %mul3A_1 = arith.constant 11392 : i32
    %mul3A_2 = arith.muli %add3A, %mul3A_1 : i32
    %min3A = arith.constant 351488 : i32
    %min3A_3 = arith.minsi %mul3A_2, %min3A : i32
    %min3A_4 = arith.constant 0 : i32
    %min3A_5 = arith.constant 9344 : i32
    %min3A_6 = arith.minsi %min3A_4, %min3A_5 : i32
    %add3A_7 = arith.addi %min3A_3, %min3A_6 : i32
    %dma_start3A = arith.constant 0 : i32
    %dma_start3A_8 = tpu.memref_slice %arg3[%dma_start3A, %add3A_7] : memref<9x362880xi32, #tpu.memory_space<hbm>> -> memref<8x2048xi32, #tpu.memory_space<hbm>>
    %dma_start3A_9 = arith.constant 0 : i32
    %dma_start3A_10 = tpu.memref_slice %arg3[%dma_start3A_9, %add3A_7] : memref<9x362880xi32, #tpu.memory_space<hbm>> -> memref<8x2048xi32, #tpu.memory_space<hbm>>
    tpu.enqueue_dma source(%dma_start3A_10 : memref<8x2048xi32, #tpu.memory_space<hbm>>) target(%arg6 : memref<8x2048xi32, #tpu.memory_space<vmem>>) target_semaphore(%arg14 : memref<!tpu.dma_semaphore, #tpu.memory_space<semaphore_mem>>)
    %dma_start3A_11 = arith.constant 8 : i32
    %dma_start3A_12 = tpu.memref_slice %arg3[%dma_start3A_11, %add3A_7] : memref<9x362880xi32, #tpu.memory_space<hbm>> -> memref<1x2048xi32, #tpu.memory_space<hbm>>
    %dma_start3A_13 = arith.constant 8 : i32
    %dma_start3A_14 = tpu.memref_slice %arg3[%dma_start3A_13, %add3A_7] : memref<9x362880xi32, #tpu.memory_space<hbm>> -> memref<1x2048xi32, #tpu.memory_space<hbm>>
    tpu.enqueue_dma source(%dma_start3A_14 : memref<1x2048xi32, #tpu.memory_space<hbm>>) target(%arg8 : memref<1x2048xi32, #tpu.memory_space<vmem>>) target_semaphore(%arg14 : memref<!tpu.dma_semaphore, #tpu.memory_space<semaphore_mem>>)
    %min3A_15 = arith.constant 2048 : i32
    %min3A_16 = arith.constant 9344 : i32
    %min3A_17 = arith.minsi %min3A_15, %min3A_16 : i32
    %add3A_18 = arith.addi %min3A_3, %min3A_17 : i32
    %dma_start3A_19 = arith.constant 0 : i32
    %dma_start3A_20 = tpu.memref_slice %arg3[%dma_start3A_19, %add3A_18] : memref<9x362880xi32, #tpu.memory_space<hbm>> -> memref<8x2048xi32, #tpu.memory_space<hbm>>
    %dma_start3A_21 = arith.constant 0 : i32
    %dma_start3A_22 = tpu.memref_slice %arg3[%dma_start3A_21, %add3A_18] : memref<9x362880xi32, #tpu.memory_space<hbm>> -> memref<8x2048xi32, #tpu.memory_space<hbm>>
    tpu.enqueue_dma source(%dma_start3A_22 : memref<8x2048xi32, #tpu.memory_space<hbm>>) target(%arg7 : memref<8x2048xi32, #tpu.memory_space<vmem>>) target_semaphore(%arg15 : memref<!tpu.dma_semaphore, #tpu.memory_space<semaphore_mem>>)
    %dma_start3A_23 = arith.constant 8 : i32
    %dma_start3A_24 = tpu.memref_slice %arg3[%dma_start3A_23, %add3A_18] : memref<9x362880xi32, #tpu.memory_space<hbm>> -> memref<1x2048xi32, #tpu.memory_space<hbm>>
    %dma_start3A_25 = arith.constant 8 : i32
    %dma_start3A_26 = tpu.memref_slice %arg3[%dma_start3A_25, %add3A_18] : memref<9x362880xi32, #tpu.memory_space<hbm>> -> memref<1x2048xi32, #tpu.memory_space<hbm>>
    tpu.enqueue_dma source(%dma_start3A_26 : memref<1x2048xi32, #tpu.memory_space<hbm>>) target(%arg9 : memref<1x2048xi32, #tpu.memory_space<vmem>>) target_semaphore(%arg15 : memref<!tpu.dma_semaphore, #tpu.memory_space<semaphore_mem>>)
    "tpu.region"() ({
      %run_scoped3A = tpu.sem_alloc : memref<!tpu.dma_semaphore, #tpu.memory_space<semaphore_mem>>
      %dma_start3A_54 = arith.constant 0 : i32
      %dma_start3A_55 = tpu.memref_slice %arg5[%dma_start3A_54] : memref<16xf32, #tpu.memory_space<vmem>> -> memref<9xf32, #tpu.memory_space<vmem>>
      %dma_start3A_56 = arith.constant 0 : i32
      %dma_start3A_57 = tpu.memref_slice %arg5[%dma_start3A_56] : memref<16xf32, #tpu.memory_space<vmem>> -> memref<9xf32, #tpu.memory_space<vmem>>
      tpu.enqueue_dma source(%arg2 : memref<9xf32, #tpu.memory_space<hbm>>) target(%dma_start3A_57 : memref<9xf32, #tpu.memory_space<vmem>>) target_semaphore(%run_scoped3A : memref<!tpu.dma_semaphore, #tpu.memory_space<semaphore_mem>>)
      %dma_wait3A_58 = arith.constant 0 : i32
      %dma_wait3A_59 = tpu.memref_slice %arg5[%dma_wait3A_58] : memref<16xf32, #tpu.memory_space<vmem>> -> memref<9xf32, #tpu.memory_space<vmem>>
      %dma_wait3A_60 = arith.constant 0 : i32
      %dma_wait3A_61 = tpu.memref_slice %arg5[%dma_wait3A_60] : memref<16xf32, #tpu.memory_space<vmem>> -> memref<9xf32, #tpu.memory_space<vmem>>
      tpu.wait_dma2 semaphore(%run_scoped3A : memref<!tpu.dma_semaphore, #tpu.memory_space<semaphore_mem>>) src(%arg2 : memref<9xf32, #tpu.memory_space<hbm>>) dst(%dma_wait3A_61 : memref<9xf32, #tpu.memory_space<vmem>>)
      tpu.yield
    }) : () -> ()
    %scan3A = arith.constant 0 : i32
    %scan3A_27 = arith.constant 3 : i32
    %scan3A_28 = arith.addi %scan3A, %scan3A_27 : i32
    %scan3A_29 = arith.constant 1 : i32
    scf.for %scan3A_54 = %scan3A to %scan3A_28 step %scan3A_29  : i32 {
      %mul3A_55 = arith.constant 2 : i32
      %mul3A_56 = arith.muli %scan3A_54, %mul3A_55 : i32
      %gt3A = arith.constant 0 : i32
      %gt3A_57 = arith.cmpi sgt, %scan3A_54, %gt3A : i32
      %convert_element_type3A = arith.extui %gt3A_57 : i1 to i32
      %cond3A = arith.constant 0 : i32
      %cond3A_58 = arith.cmpi ne, %convert_element_type3A, %cond3A : i32
      scf.if %cond3A_58 {
        %add3A_138 = arith.constant 0 : i32
        %add3A_139 = arith.addi %mul3A_56, %add3A_138 : i32
        %sub3A = arith.constant 2 : i32
        %sub3A_140 = arith.subi %add3A_139, %sub3A : i32
        %mul3A_141 = arith.constant 2048 : i32
        %mul3A_142 = arith.muli %sub3A_140, %mul3A_141 : i32
        %min3A_143 = arith.constant 9344 : i32
        %min3A_144 = arith.minsi %mul3A_142, %min3A_143 : i32
        %add3A_145 = arith.addi %min3A_3, %min3A_144 : i32
        %dma_wait3A_146 = arith.constant 0 : i32
        %dma_wait3A_147 = tpu.memref_slice %arg4[%dma_wait3A_146, %add3A_145] : memref<9x362880xf32, #tpu.memory_space<hbm>> -> memref<8x2048xf32, #tpu.memory_space<hbm>>
        %dma_wait3A_148 = arith.constant 0 : i32
        %dma_wait3A_149 = tpu.memref_slice %arg4[%dma_wait3A_148, %add3A_145] : memref<9x362880xf32, #tpu.memory_space<hbm>> -> memref<8x2048xf32, #tpu.memory_space<hbm>>
        tpu.wait_dma2 semaphore(%arg16 : memref<!tpu.dma_semaphore, #tpu.memory_space<semaphore_mem>>) src(%arg10 : memref<8x2048xf32, #tpu.memory_space<vmem>>) dst(%dma_wait3A_149 : memref<8x2048xf32, #tpu.memory_space<hbm>>)
        %dma_wait3A_150 = arith.constant 8 : i32
        %dma_wait3A_151 = tpu.memref_slice %arg4[%dma_wait3A_150, %add3A_145] : memref<9x362880xf32, #tpu.memory_space<hbm>> -> memref<1x2048xf32, #tpu.memory_space<hbm>>
        %dma_wait3A_152 = arith.constant 8 : i32
        %dma_wait3A_153 = tpu.memref_slice %arg4[%dma_wait3A_152, %add3A_145] : memref<9x362880xf32, #tpu.memory_space<hbm>> -> memref<1x2048xf32, #tpu.memory_space<hbm>>
        tpu.wait_dma2 semaphore(%arg16 : memref<!tpu.dma_semaphore, #tpu.memory_space<semaphore_mem>>) src(%arg12 : memref<1x2048xf32, #tpu.memory_space<vmem>>) dst(%dma_wait3A_153 : memref<1x2048xf32, #tpu.memory_space<hbm>>)
      } else {
      }
      %add3A_59 = arith.constant 0 : i32
      %add3A_60 = arith.addi %mul3A_56, %add3A_59 : i32
      %mul3A_61 = arith.constant 2048 : i32
      %mul3A_62 = arith.muli %add3A_60, %mul3A_61 : i32
      %min3A_63 = arith.constant 9344 : i32
      %min3A_64 = arith.minsi %mul3A_62, %min3A_63 : i32
      %add3A_65 = arith.addi %min3A_3, %min3A_64 : i32
      %dma_wait3A_66 = arith.constant 0 : i32
      %dma_wait3A_67 = tpu.memref_slice %arg3[%dma_wait3A_66, %add3A_65] : memref<9x362880xi32, #tpu.memory_space<hbm>> -> memref<8x2048xi32, #tpu.memory_space<hbm>>
      %dma_wait3A_68 = arith.constant 0 : i32
      %dma_wait3A_69 = tpu.memref_slice %arg3[%dma_wait3A_68, %add3A_65] : memref<9x362880xi32, #tpu.memory_space<hbm>> -> memref<8x2048xi32, #tpu.memory_space<hbm>>
      tpu.wait_dma2 semaphore(%arg14 : memref<!tpu.dma_semaphore, #tpu.memory_space<semaphore_mem>>) src(%dma_wait3A_69 : memref<8x2048xi32, #tpu.memory_space<hbm>>) dst(%arg6 : memref<8x2048xi32, #tpu.memory_space<vmem>>)
      %dma_wait3A_70 = arith.constant 8 : i32
      %dma_wait3A_71 = tpu.memref_slice %arg3[%dma_wait3A_70, %add3A_65] : memref<9x362880xi32, #tpu.memory_space<hbm>> -> memref<1x2048xi32, #tpu.memory_space<hbm>>
      %dma_wait3A_72 = arith.constant 8 : i32
      %dma_wait3A_73 = tpu.memref_slice %arg3[%dma_wait3A_72, %add3A_65] : memref<9x362880xi32, #tpu.memory_space<hbm>> -> memref<1x2048xi32, #tpu.memory_space<hbm>>
      tpu.wait_dma2 semaphore(%arg14 : memref<!tpu.dma_semaphore, #tpu.memory_space<semaphore_mem>>) src(%dma_wait3A_73 : memref<1x2048xi32, #tpu.memory_space<hbm>>) dst(%arg8 : memref<1x2048xi32, #tpu.memory_space<vmem>>)
      %parallel_loop3A = arith.constant 0 : i32
      %parallel_loop3A_74 = arith.constant 2048 : i32
      %parallel_loop3A_75 = arith.constant 16 : i32
      scf.for %parallel_loop3A_138 = %parallel_loop3A to %parallel_loop3A_74 step %parallel_loop3A_75  : i32 {
        %parallel_loop3A_139 = arith.constant 0 : i32
        %parallel_loop3A_140 = arith.index_cast %parallel_loop3A_139 : i32 to index
        %parallel_loop3A_141 = arith.index_cast %parallel_loop3A_138 : i32 to index
        %parallel_loop3A_142 = tpu.vector_load %arg6[%parallel_loop3A_140, %parallel_loop3A_141] {strides = array<i32>} : memref<8x2048xi32, #tpu.memory_space<vmem>>, vector<16xi32>,
        %parallel_loop3A_143 = tpu.vector_load_idx %arg5[%parallel_loop3A_142] : memref<16xf32, #tpu.memory_space<vmem>>[vector<16xi32>], vector<16xf32>,
        %parallel_loop3A_144 = arith.constant 0 : i32
        %parallel_loop3A_145 = arith.index_cast %parallel_loop3A_144 : i32 to index
        %parallel_loop3A_146 = arith.index_cast %parallel_loop3A_138 : i32 to index
        %parallel_loop3A_147 = tpu.vector_load %arg10[%parallel_loop3A_145, %parallel_loop3A_146] {strides = array<i32>} : memref<8x2048xf32, #tpu.memory_space<vmem>>, vector<16xf32>,
        tpu.vector_store %arg10[%parallel_loop3A_145, %parallel_loop3A_146], %parallel_loop3A_143 {strides = array<i32>} : memref<8x2048xf32, #tpu.memory_space<vmem>>, vector<16xf32>,
        %parallel_loop3A_148 = arith.constant 1 : i32
        %parallel_loop3A_149 = arith.index_cast %parallel_loop3A_148 : i32 to index
        %parallel_loop3A_150 = arith.index_cast %parallel_loop3A_138 : i32 to index
        %parallel_loop3A_151 = tpu.vector_load %arg6[%parallel_loop3A_149, %parallel_loop3A_150] {strides = array<i32>} : memref<8x2048xi32, #tpu.memory_space<vmem>>, vector<16xi32>,
        %parallel_loop3A_152 = tpu.vector_load_idx %arg5[%parallel_loop3A_151] : memref<16xf32, #tpu.memory_space<vmem>>[vector<16xi32>], vector<16xf32>,
        %parallel_loop3A_153 = arith.constant 1 : i32
        %parallel_loop3A_154 = arith.index_cast %parallel_loop3A_153 : i32 to index
        %parallel_loop3A_155 = arith.index_cast %parallel_loop3A_138 : i32 to index
        %parallel_loop3A_156 = tpu.vector_load %arg10[%parallel_loop3A_154, %parallel_loop3A_155] {strides = array<i32>} : memref<8x2048xf32, #tpu.memory_space<vmem>>, vector<16xf32>,
        tpu.vector_store %arg10[%parallel_loop3A_154, %parallel_loop3A_155], %parallel_loop3A_152 {strides = array<i32>} : memref<8x2048xf32, #tpu.memory_space<vmem>>, vector<16xf32>,
        %parallel_loop3A_157 = arith.constant 2 : i32
        %parallel_loop3A_158 = arith.index_cast %parallel_loop3A_157 : i32 to index
        %parallel_loop3A_159 = arith.index_cast %parallel_loop3A_138 : i32 to index
        %parallel_loop3A_160 = tpu.vector_load %arg6[%parallel_loop3A_158, %parallel_loop3A_159] {strides = array<i32>} : memref<8x2048xi32, #tpu.memory_space<vmem>>, vector<16xi32>,
        %parallel_loop3A_161 = tpu.vector_load_idx %arg5[%parallel_loop3A_160] : memref<16xf32, #tpu.memory_space<vmem>>[vector<16xi32>], vector<16xf32>,
        %parallel_loop3A_162 = arith.constant 2 : i32
        %parallel_loop3A_163 = arith.index_cast %parallel_loop3A_162 : i32 to index
        %parallel_loop3A_164 = arith.index_cast %parallel_loop3A_138 : i32 to index
        %parallel_loop3A_165 = tpu.vector_load %arg10[%parallel_loop3A_163, %parallel_loop3A_164] {strides = array<i32>} : memref<8x2048xf32, #tpu.memory_space<vmem>>, vector<16xf32>,
        tpu.vector_store %arg10[%parallel_loop3A_163, %parallel_loop3A_164], %parallel_loop3A_161 {strides = array<i32>} : memref<8x2048xf32, #tpu.memory_space<vmem>>, vector<16xf32>,
        %parallel_loop3A_166 = arith.constant 3 : i32
        %parallel_loop3A_167 = arith.index_cast %parallel_loop3A_166 : i32 to index
        %parallel_loop3A_168 = arith.index_cast %parallel_loop3A_138 : i32 to index
        %parallel_loop3A_169 = tpu.vector_load %arg6[%parallel_loop3A_167, %parallel_loop3A_168] {strides = array<i32>} : memref<8x2048xi32, #tpu.memory_space<vmem>>, vector<16xi32>,
        %parallel_loop3A_170 = tpu.vector_load_idx %arg5[%parallel_loop3A_169] : memref<16xf32, #tpu.memory_space<vmem>>[vector<16xi32>], vector<16xf32>,
        %parallel_loop3A_171 = arith.constant 3 : i32
        %parallel_loop3A_172 = arith.index_cast %parallel_loop3A_171 : i32 to index
        %parallel_loop3A_173 = arith.index_cast %parallel_loop3A_138 : i32 to index
        %parallel_loop3A_174 = tpu.vector_load %arg10[%parallel_loop3A_172, %parallel_loop3A_173] {strides = array<i32>} : memref<8x2048xf32, #tpu.memory_space<vmem>>, vector<16xf32>,
        tpu.vector_store %arg10[%parallel_loop3A_172, %parallel_loop3A_173], %parallel_loop3A_170 {strides = array<i32>} : memref<8x2048xf32, #tpu.memory_space<vmem>>, vector<16xf32>,
        %parallel_loop3A_175 = arith.constant 4 : i32
        %parallel_loop3A_176 = arith.index_cast %parallel_loop3A_175 : i32 to index
        %parallel_loop3A_177 = arith.index_cast %parallel_loop3A_138 : i32 to index
        %parallel_loop3A_178 = tpu.vector_load %arg6[%parallel_loop3A_176, %parallel_loop3A_177] {strides = array<i32>} : memref<8x2048xi32, #tpu.memory_space<vmem>>, vector<16xi32>,
        %parallel_loop3A_179 = tpu.vector_load_idx %arg5[%parallel_loop3A_178] : memref<16xf32, #tpu.memory_space<vmem>>[vector<16xi32>], vector<16xf32>,
        %parallel_loop3A_180 = arith.constant 4 : i32
        %parallel_loop3A_181 = arith.index_cast %parallel_loop3A_180 : i32 to index
        %parallel_loop3A_182 = arith.index_cast %parallel_loop3A_138 : i32 to index
        %parallel_loop3A_183 = tpu.vector_load %arg10[%parallel_loop3A_181, %parallel_loop3A_182] {strides = array<i32>} : memref<8x2048xf32, #tpu.memory_space<vmem>>, vector<16xf32>,
        tpu.vector_store %arg10[%parallel_loop3A_181, %parallel_loop3A_182], %parallel_loop3A_179 {strides = array<i32>} : memref<8x2048xf32, #tpu.memory_space<vmem>>, vector<16xf32>,
        %parallel_loop3A_184 = arith.constant 5 : i32
        %parallel_loop3A_185 = arith.index_cast %parallel_loop3A_184 : i32 to index
        %parallel_loop3A_186 = arith.index_cast %parallel_loop3A_138 : i32 to index
        %parallel_loop3A_187 = tpu.vector_load %arg6[%parallel_loop3A_185, %parallel_loop3A_186] {strides = array<i32>} : memref<8x2048xi32, #tpu.memory_space<vmem>>, vector<16xi32>,
        %parallel_loop3A_188 = tpu.vector_load_idx %arg5[%parallel_loop3A_187] : memref<16xf32, #tpu.memory_space<vmem>>[vector<16xi32>], vector<16xf32>,
        %parallel_loop3A_189 = arith.constant 5 : i32
        %parallel_loop3A_190 = arith.index_cast %parallel_loop3A_189 : i32 to index
        %parallel_loop3A_191 = arith.index_cast %parallel_loop3A_138 : i32 to index
        %parallel_loop3A_192 = tpu.vector_load %arg10[%parallel_loop3A_190, %parallel_loop3A_191] {strides = array<i32>} : memref<8x2048xf32, #tpu.memory_space<vmem>>, vector<16xf32>,
        tpu.vector_store %arg10[%parallel_loop3A_190, %parallel_loop3A_191], %parallel_loop3A_188 {strides = array<i32>} : memref<8x2048xf32, #tpu.memory_space<vmem>>, vector<16xf32>,
        %parallel_loop3A_193 = arith.constant 6 : i32
        %parallel_loop3A_194 = arith.index_cast %parallel_loop3A_193 : i32 to index
        %parallel_loop3A_195 = arith.index_cast %parallel_loop3A_138 : i32 to index
        %parallel_loop3A_196 = tpu.vector_load %arg6[%parallel_loop3A_194, %parallel_loop3A_195] {strides = array<i32>} : memref<8x2048xi32, #tpu.memory_space<vmem>>, vector<16xi32>,
        %parallel_loop3A_197 = tpu.vector_load_idx %arg5[%parallel_loop3A_196] : memref<16xf32, #tpu.memory_space<vmem>>[vector<16xi32>], vector<16xf32>,
        %parallel_loop3A_198 = arith.constant 6 : i32
        %parallel_loop3A_199 = arith.index_cast %parallel_loop3A_198 : i32 to index
        %parallel_loop3A_200 = arith.index_cast %parallel_loop3A_138 : i32 to index
        %parallel_loop3A_201 = tpu.vector_load %arg10[%parallel_loop3A_199, %parallel_loop3A_200] {strides = array<i32>} : memref<8x2048xf32, #tpu.memory_space<vmem>>, vector<16xf32>,
        tpu.vector_store %arg10[%parallel_loop3A_199, %parallel_loop3A_200], %parallel_loop3A_197 {strides = array<i32>} : memref<8x2048xf32, #tpu.memory_space<vmem>>, vector<16xf32>,
        %parallel_loop3A_202 = arith.constant 7 : i32
        %parallel_loop3A_203 = arith.index_cast %parallel_loop3A_202 : i32 to index
        %parallel_loop3A_204 = arith.index_cast %parallel_loop3A_138 : i32 to index
        %parallel_loop3A_205 = tpu.vector_load %arg6[%parallel_loop3A_203, %parallel_loop3A_204] {strides = array<i32>} : memref<8x2048xi32, #tpu.memory_space<vmem>>, vector<16xi32>,
        %parallel_loop3A_206 = tpu.vector_load_idx %arg5[%parallel_loop3A_205] : memref<16xf32, #tpu.memory_space<vmem>>[vector<16xi32>], vector<16xf32>,
        %parallel_loop3A_207 = arith.constant 7 : i32
        %parallel_loop3A_208 = arith.index_cast %parallel_loop3A_207 : i32 to index
        %parallel_loop3A_209 = arith.index_cast %parallel_loop3A_138 : i32 to index
        %parallel_loop3A_210 = tpu.vector_load %arg10[%parallel_loop3A_208, %parallel_loop3A_209] {strides = array<i32>} : memref<8x2048xf32, #tpu.memory_space<vmem>>, vector<16xf32>,
        tpu.vector_store %arg10[%parallel_loop3A_208, %parallel_loop3A_209], %parallel_loop3A_206 {strides = array<i32>} : memref<8x2048xf32, #tpu.memory_space<vmem>>, vector<16xf32>,
        %parallel_loop3A_211 = arith.constant 0 : i32
        %parallel_loop3A_212 = arith.index_cast %parallel_loop3A_211 : i32 to index
        %parallel_loop3A_213 = arith.index_cast %parallel_loop3A_138 : i32 to index
        %parallel_loop3A_214 = tpu.vector_load %arg8[%parallel_loop3A_212, %parallel_loop3A_213] {strides = array<i32>} : memref<1x2048xi32, #tpu.memory_space<vmem>>, vector<16xi32>,
        %parallel_loop3A_215 = tpu.vector_load_idx %arg5[%parallel_loop3A_214] : memref<16xf32, #tpu.memory_space<vmem>>[vector<16xi32>], vector<16xf32>,
        %parallel_loop3A_216 = arith.constant 0 : i32
        %parallel_loop3A_217 = arith.index_cast %parallel_loop3A_216 : i32 to index
        %parallel_loop3A_218 = arith.index_cast %parallel_loop3A_138 : i32 to index
        %parallel_loop3A_219 = tpu.vector_load %arg12[%parallel_loop3A_217, %parallel_loop3A_218] {strides = array<i32>} : memref<1x2048xf32, #tpu.memory_space<vmem>>, vector<16xf32>,
        tpu.vector_store %arg12[%parallel_loop3A_217, %parallel_loop3A_218], %parallel_loop3A_215 {strides = array<i32>} : memref<1x2048xf32, #tpu.memory_space<vmem>>, vector<16xf32>,
      } {sc.loop_unroll_factor = 2 : i64, sc.parallel_access}
      %add3A_76 = arith.constant 0 : i32
      %add3A_77 = arith.addi %mul3A_56, %add3A_76 : i32
      %mul3A_78 = arith.constant 2048 : i32
      %mul3A_79 = arith.muli %add3A_77, %mul3A_78 : i32
      %min3A_80 = arith.constant 9344 : i32
      %min3A_81 = arith.minsi %mul3A_79, %min3A_80 : i32
      %add3A_82 = arith.addi %min3A_3, %min3A_81 : i32
      %dma_start3A_83 = arith.constant 0 : i32
      %dma_start3A_84 = tpu.memref_slice %arg4[%dma_start3A_83, %add3A_82] : memref<9x362880xf32, #tpu.memory_space<hbm>> -> memref<8x2048xf32, #tpu.memory_space<hbm>>
      %dma_start3A_85 = arith.constant 0 : i32
      %dma_start3A_86 = tpu.memref_slice %arg4[%dma_start3A_85, %add3A_82] : memref<9x362880xf32, #tpu.memory_space<hbm>> -> memref<8x2048xf32, #tpu.memory_space<hbm>>
      tpu.enqueue_dma source(%arg10 : memref<8x2048xf32, #tpu.memory_space<vmem>>) target(%dma_start3A_86 : memref<8x2048xf32, #tpu.memory_space<hbm>>) target_semaphore(%arg16 : memref<!tpu.dma_semaphore, #tpu.memory_space<semaphore_mem>>)
      %dma_start3A_87 = arith.constant 8 : i32
      %dma_start3A_88 = tpu.memref_slice %arg4[%dma_start3A_87, %add3A_82] : memref<9x362880xf32, #tpu.memory_space<hbm>> -> memref<1x2048xf32, #tpu.memory_space<hbm>>
      %dma_start3A_89 = arith.constant 8 : i32
      %dma_start3A_90 = tpu.memref_slice %arg4[%dma_start3A_89, %add3A_82] : memref<9x362880xf32, #tpu.memory_space<hbm>> -> memref<1x2048xf32, #tpu.memory_space<hbm>>
      tpu.enqueue_dma source(%arg12 : memref<1x2048xf32, #tpu.memory_space<vmem>>) target(%dma_start3A_90 : memref<1x2048xf32, #tpu.memory_space<hbm>>) target_semaphore(%arg16 : memref<!tpu.dma_semaphore, #tpu.memory_space<semaphore_mem>>)
      %lt3A = arith.constant 2 : i32
      %lt3A_91 = arith.cmpi slt, %scan3A_54, %lt3A : i32
      %convert_element_type3A_92 = arith.extui %lt3A_91 : i1 to i32
      %cond3A_93 = arith.constant 0 : i32
      %cond3A_94 = arith.cmpi ne, %convert_element_type3A_92, %cond3A_93 : i32
      scf.if %cond3A_94 {
        %add3A_138 = arith.constant 0 : i32
        %add3A_139 = arith.addi %mul3A_56, %add3A_138 : i32
        %add3A_140 = arith.constant 2 : i32
        %add3A_141 = arith.addi %add3A_139, %add3A_140 : i32
        %mul3A_142 = arith.constant 2048 : i32
        %mul3A_143 = arith.muli %add3A_141, %mul3A_142 : i32
        %min3A_144 = arith.constant 9344 : i32
        %min3A_145 = arith.minsi %mul3A_143, %min3A_144 : i32
        %add3A_146 = arith.addi %min3A_3, %min3A_145 : i32
        %dma_start3A_147 = arith.constant 0 : i32
        %dma_start3A_148 = tpu.memref_slice %arg3[%dma_start3A_147, %add3A_146] : memref<9x362880xi32, #tpu.memory_space<hbm>> -> memref<8x2048xi32, #tpu.memory_space<hbm>>
        %dma_start3A_149 = arith.constant 0 : i32
        %dma_start3A_150 = tpu.memref_slice %arg3[%dma_start3A_149, %add3A_146] : memref<9x362880xi32, #tpu.memory_space<hbm>> -> memref<8x2048xi32, #tpu.memory_space<hbm>>
        tpu.enqueue_dma source(%dma_start3A_150 : memref<8x2048xi32, #tpu.memory_space<hbm>>) target(%arg6 : memref<8x2048xi32, #tpu.memory_space<vmem>>) target_semaphore(%arg14 : memref<!tpu.dma_semaphore, #tpu.memory_space<semaphore_mem>>)
        %dma_start3A_151 = arith.constant 8 : i32
        %dma_start3A_152 = tpu.memref_slice %arg3[%dma_start3A_151, %add3A_146] : memref<9x362880xi32, #tpu.memory_space<hbm>> -> memref<1x2048xi32, #tpu.memory_space<hbm>>
        %dma_start3A_153 = arith.constant 8 : i32
        %dma_start3A_154 = tpu.memref_slice %arg3[%dma_start3A_153, %add3A_146] : memref<9x362880xi32, #tpu.memory_space<hbm>> -> memref<1x2048xi32, #tpu.memory_space<hbm>>
        tpu.enqueue_dma source(%dma_start3A_154 : memref<1x2048xi32, #tpu.memory_space<hbm>>) target(%arg8 : memref<1x2048xi32, #tpu.memory_space<vmem>>) target_semaphore(%arg14 : memref<!tpu.dma_semaphore, #tpu.memory_space<semaphore_mem>>)
      } else {
      }
      %gt3A_95 = arith.constant 0 : i32
      %gt3A_96 = arith.cmpi sgt, %scan3A_54, %gt3A_95 : i32
      %convert_element_type3A_97 = arith.extui %gt3A_96 : i1 to i32
      %cond3A_98 = arith.constant 0 : i32
      %cond3A_99 = arith.cmpi ne, %convert_element_type3A_97, %cond3A_98 : i32
      scf.if %cond3A_99 {
        %add3A_138 = arith.constant 1 : i32
        %add3A_139 = arith.addi %mul3A_56, %add3A_138 : i32
        %sub3A = arith.constant 2 : i32
        %sub3A_140 = arith.subi %add3A_139, %sub3A : i32
        %mul3A_141 = arith.constant 2048 : i32
        %mul3A_142 = arith.muli %sub3A_140, %mul3A_141 : i32
        %min3A_143 = arith.constant 9344 : i32
        %min3A_144 = arith.minsi %mul3A_142, %min3A_143 : i32
        %add3A_145 = arith.addi %min3A_3, %min3A_144 : i32
        %dma_wait3A_146 = arith.constant 0 : i32
        %dma_wait3A_147 = tpu.memref_slice %arg4[%dma_wait3A_146, %add3A_145] : memref<9x362880xf32, #tpu.memory_space<hbm>> -> memref<8x2048xf32, #tpu.memory_space<hbm>>
        %dma_wait3A_148 = arith.constant 0 : i32
        %dma_wait3A_149 = tpu.memref_slice %arg4[%dma_wait3A_148, %add3A_145] : memref<9x362880xf32, #tpu.memory_space<hbm>> -> memref<8x2048xf32, #tpu.memory_space<hbm>>
        tpu.wait_dma2 semaphore(%arg17 : memref<!tpu.dma_semaphore, #tpu.memory_space<semaphore_mem>>) src(%arg11 : memref<8x2048xf32, #tpu.memory_space<vmem>>) dst(%dma_wait3A_149 : memref<8x2048xf32, #tpu.memory_space<hbm>>)
        %dma_wait3A_150 = arith.constant 8 : i32
        %dma_wait3A_151 = tpu.memref_slice %arg4[%dma_wait3A_150, %add3A_145] : memref<9x362880xf32, #tpu.memory_space<hbm>> -> memref<1x2048xf32, #tpu.memory_space<hbm>>
        %dma_wait3A_152 = arith.constant 8 : i32
        %dma_wait3A_153 = tpu.memref_slice %arg4[%dma_wait3A_152, %add3A_145] : memref<9x362880xf32, #tpu.memory_space<hbm>> -> memref<1x2048xf32, #tpu.memory_space<hbm>>
        tpu.wait_dma2 semaphore(%arg17 : memref<!tpu.dma_semaphore, #tpu.memory_space<semaphore_mem>>) src(%arg13 : memref<1x2048xf32, #tpu.memory_space<vmem>>) dst(%dma_wait3A_153 : memref<1x2048xf32, #tpu.memory_space<hbm>>)
      } else {
      }
      %add3A_100 = arith.constant 1 : i32
      %add3A_101 = arith.addi %mul3A_56, %add3A_100 : i32
      %mul3A_102 = arith.constant 2048 : i32
      %mul3A_103 = arith.muli %add3A_101, %mul3A_102 : i32
      %min3A_104 = arith.constant 9344 : i32
      %min3A_105 = arith.minsi %mul3A_103, %min3A_104 : i32
      %add3A_106 = arith.addi %min3A_3, %min3A_105 : i32
      %dma_wait3A_107 = arith.constant 0 : i32
      %dma_wait3A_108 = tpu.memref_slice %arg3[%dma_wait3A_107, %add3A_106] : memref<9x362880xi32, #tpu.memory_space<hbm>> -> memref<8x2048xi32, #tpu.memory_space<hbm>>
      %dma_wait3A_109 = arith.constant 0 : i32
      %dma_wait3A_110 = tpu.memref_slice %arg3[%dma_wait3A_109, %add3A_106] : memref<9x362880xi32, #tpu.memory_space<hbm>> -> memref<8x2048xi32, #tpu.memory_space<hbm>>
      tpu.wait_dma2 semaphore(%arg15 : memref<!tpu.dma_semaphore, #tpu.memory_space<semaphore_mem>>) src(%dma_wait3A_110 : memref<8x2048xi32, #tpu.memory_space<hbm>>) dst(%arg7 : memref<8x2048xi32, #tpu.memory_space<vmem>>)
      %dma_wait3A_111 = arith.constant 8 : i32
      %dma_wait3A_112 = tpu.memref_slice %arg3[%dma_wait3A_111, %add3A_106] : memref<9x362880xi32, #tpu.memory_space<hbm>> -> memref<1x2048xi32, #tpu.memory_space<hbm>>
      %dma_wait3A_113 = arith.constant 8 : i32
      %dma_wait3A_114 = tpu.memref_slice %arg3[%dma_wait3A_113, %add3A_106] : memref<9x362880xi32, #tpu.memory_space<hbm>> -> memref<1x2048xi32, #tpu.memory_space<hbm>>
      tpu.wait_dma2 semaphore(%arg15 : memref<!tpu.dma_semaphore, #tpu.memory_space<semaphore_mem>>) src(%dma_wait3A_114 : memref<1x2048xi32, #tpu.memory_space<hbm>>) dst(%arg9 : memref<1x2048xi32, #tpu.memory_space<vmem>>)
      %parallel_loop3A_115 = arith.constant 0 : i32
      %parallel_loop3A_116 = arith.constant 2048 : i32
      %parallel_loop3A_117 = arith.constant 16 : i32
      scf.for %parallel_loop3A_138 = %parallel_loop3A_115 to %parallel_loop3A_116 step %parallel_loop3A_117  : i32 {
        %parallel_loop3A_139 = arith.constant 0 : i32
        %parallel_loop3A_140 = arith.index_cast %parallel_loop3A_139 : i32 to index
        %parallel_loop3A_141 = arith.index_cast %parallel_loop3A_138 : i32 to index
        %parallel_loop3A_142 = tpu.vector_load %arg7[%parallel_loop3A_140, %parallel_loop3A_141] {strides = array<i32>} : memref<8x2048xi32, #tpu.memory_space<vmem>>, vector<16xi32>,
        %parallel_loop3A_143 = tpu.vector_load_idx %arg5[%parallel_loop3A_142] : memref<16xf32, #tpu.memory_space<vmem>>[vector<16xi32>], vector<16xf32>,
        %parallel_loop3A_144 = arith.constant 0 : i32
        %parallel_loop3A_145 = arith.index_cast %parallel_loop3A_144 : i32 to index
        %parallel_loop3A_146 = arith.index_cast %parallel_loop3A_138 : i32 to index
        %parallel_loop3A_147 = tpu.vector_load %arg11[%parallel_loop3A_145, %parallel_loop3A_146] {strides = array<i32>} : memref<8x2048xf32, #tpu.memory_space<vmem>>, vector<16xf32>,
        tpu.vector_store %arg11[%parallel_loop3A_145, %parallel_loop3A_146], %parallel_loop3A_143 {strides = array<i32>} : memref<8x2048xf32, #tpu.memory_space<vmem>>, vector<16xf32>,
        %parallel_loop3A_148 = arith.constant 1 : i32
        %parallel_loop3A_149 = arith.index_cast %parallel_loop3A_148 : i32 to index
        %parallel_loop3A_150 = arith.index_cast %parallel_loop3A_138 : i32 to index
        %parallel_loop3A_151 = tpu.vector_load %arg7[%parallel_loop3A_149, %parallel_loop3A_150] {strides = array<i32>} : memref<8x2048xi32, #tpu.memory_space<vmem>>, vector<16xi32>,
        %parallel_loop3A_152 = tpu.vector_load_idx %arg5[%parallel_loop3A_151] : memref<16xf32, #tpu.memory_space<vmem>>[vector<16xi32>], vector<16xf32>,
        %parallel_loop3A_153 = arith.constant 1 : i32
        %parallel_loop3A_154 = arith.index_cast %parallel_loop3A_153 : i32 to index
        %parallel_loop3A_155 = arith.index_cast %parallel_loop3A_138 : i32 to index
        %parallel_loop3A_156 = tpu.vector_load %arg11[%parallel_loop3A_154, %parallel_loop3A_155] {strides = array<i32>} : memref<8x2048xf32, #tpu.memory_space<vmem>>, vector<16xf32>,
        tpu.vector_store %arg11[%parallel_loop3A_154, %parallel_loop3A_155], %parallel_loop3A_152 {strides = array<i32>} : memref<8x2048xf32, #tpu.memory_space<vmem>>, vector<16xf32>,
        %parallel_loop3A_157 = arith.constant 2 : i32
        %parallel_loop3A_158 = arith.index_cast %parallel_loop3A_157 : i32 to index
        %parallel_loop3A_159 = arith.index_cast %parallel_loop3A_138 : i32 to index
        %parallel_loop3A_160 = tpu.vector_load %arg7[%parallel_loop3A_158, %parallel_loop3A_159] {strides = array<i32>} : memref<8x2048xi32, #tpu.memory_space<vmem>>, vector<16xi32>,
        %parallel_loop3A_161 = tpu.vector_load_idx %arg5[%parallel_loop3A_160] : memref<16xf32, #tpu.memory_space<vmem>>[vector<16xi32>], vector<16xf32>,
        %parallel_loop3A_162 = arith.constant 2 : i32
        %parallel_loop3A_163 = arith.index_cast %parallel_loop3A_162 : i32 to index
        %parallel_loop3A_164 = arith.index_cast %parallel_loop3A_138 : i32 to index
        %parallel_loop3A_165 = tpu.vector_load %arg11[%parallel_loop3A_163, %parallel_loop3A_164] {strides = array<i32>} : memref<8x2048xf32, #tpu.memory_space<vmem>>, vector<16xf32>,
        tpu.vector_store %arg11[%parallel_loop3A_163, %parallel_loop3A_164], %parallel_loop3A_161 {strides = array<i32>} : memref<8x2048xf32, #tpu.memory_space<vmem>>, vector<16xf32>,
        %parallel_loop3A_166 = arith.constant 3 : i32
        %parallel_loop3A_167 = arith.index_cast %parallel_loop3A_166 : i32 to index
        %parallel_loop3A_168 = arith.index_cast %parallel_loop3A_138 : i32 to index
        %parallel_loop3A_169 = tpu.vector_load %arg7[%parallel_loop3A_167, %parallel_loop3A_168] {strides = array<i32>} : memref<8x2048xi32, #tpu.memory_space<vmem>>, vector<16xi32>,
        %parallel_loop3A_170 = tpu.vector_load_idx %arg5[%parallel_loop3A_169] : memref<16xf32, #tpu.memory_space<vmem>>[vector<16xi32>], vector<16xf32>,
        %parallel_loop3A_171 = arith.constant 3 : i32
        %parallel_loop3A_172 = arith.index_cast %parallel_loop3A_171 : i32 to index
        %parallel_loop3A_173 = arith.index_cast %parallel_loop3A_138 : i32 to index
        %parallel_loop3A_174 = tpu.vector_load %arg11[%parallel_loop3A_172, %parallel_loop3A_173] {strides = array<i32>} : memref<8x2048xf32, #tpu.memory_space<vmem>>, vector<16xf32>,
        tpu.vector_store %arg11[%parallel_loop3A_172, %parallel_loop3A_173], %parallel_loop3A_170 {strides = array<i32>} : memref<8x2048xf32, #tpu.memory_space<vmem>>, vector<16xf32>,
        %parallel_loop3A_175 = arith.constant 4 : i32
        %parallel_loop3A_176 = arith.index_cast %parallel_loop3A_175 : i32 to index
        %parallel_loop3A_177 = arith.index_cast %parallel_loop3A_138 : i32 to index
        %parallel_loop3A_178 = tpu.vector_load %arg7[%parallel_loop3A_176, %parallel_loop3A_177] {strides = array<i32>} : memref<8x2048xi32, #tpu.memory_space<vmem>>, vector<16xi32>,
        %parallel_loop3A_179 = tpu.vector_load_idx %arg5[%parallel_loop3A_178] : memref<16xf32, #tpu.memory_space<vmem>>[vector<16xi32>], vector<16xf32>,
        %parallel_loop3A_180 = arith.constant 4 : i32
        %parallel_loop3A_181 = arith.index_cast %parallel_loop3A_180 : i32 to index
        %parallel_loop3A_182 = arith.index_cast %parallel_loop3A_138 : i32 to index
        %parallel_loop3A_183 = tpu.vector_load %arg11[%parallel_loop3A_181, %parallel_loop3A_182] {strides = array<i32>} : memref<8x2048xf32, #tpu.memory_space<vmem>>, vector<16xf32>,
        tpu.vector_store %arg11[%parallel_loop3A_181, %parallel_loop3A_182], %parallel_loop3A_179 {strides = array<i32>} : memref<8x2048xf32, #tpu.memory_space<vmem>>, vector<16xf32>,
        %parallel_loop3A_184 = arith.constant 5 : i32
        %parallel_loop3A_185 = arith.index_cast %parallel_loop3A_184 : i32 to index
        %parallel_loop3A_186 = arith.index_cast %parallel_loop3A_138 : i32 to index
        %parallel_loop3A_187 = tpu.vector_load %arg7[%parallel_loop3A_185, %parallel_loop3A_186] {strides = array<i32>} : memref<8x2048xi32, #tpu.memory_space<vmem>>, vector<16xi32>,
        %parallel_loop3A_188 = tpu.vector_load_idx %arg5[%parallel_loop3A_187] : memref<16xf32, #tpu.memory_space<vmem>>[vector<16xi32>], vector<16xf32>,
        %parallel_loop3A_189 = arith.constant 5 : i32
        %parallel_loop3A_190 = arith.index_cast %parallel_loop3A_189 : i32 to index
        %parallel_loop3A_191 = arith.index_cast %parallel_loop3A_138 : i32 to index
        %parallel_loop3A_192 = tpu.vector_load %arg11[%parallel_loop3A_190, %parallel_loop3A_191] {strides = array<i32>} : memref<8x2048xf32, #tpu.memory_space<vmem>>, vector<16xf32>,
        tpu.vector_store %arg11[%parallel_loop3A_190, %parallel_loop3A_191], %parallel_loop3A_188 {strides = array<i32>} : memref<8x2048xf32, #tpu.memory_space<vmem>>, vector<16xf32>,
        %parallel_loop3A_193 = arith.constant 6 : i32
        %parallel_loop3A_194 = arith.index_cast %parallel_loop3A_193 : i32 to index
        %parallel_loop3A_195 = arith.index_cast %parallel_loop3A_138 : i32 to index
        %parallel_loop3A_196 = tpu.vector_load %arg7[%parallel_loop3A_194, %parallel_loop3A_195] {strides = array<i32>} : memref<8x2048xi32, #tpu.memory_space<vmem>>, vector<16xi32>,
        %parallel_loop3A_197 = tpu.vector_load_idx %arg5[%parallel_loop3A_196] : memref<16xf32, #tpu.memory_space<vmem>>[vector<16xi32>], vector<16xf32>,
        %parallel_loop3A_198 = arith.constant 6 : i32
        %parallel_loop3A_199 = arith.index_cast %parallel_loop3A_198 : i32 to index
        %parallel_loop3A_200 = arith.index_cast %parallel_loop3A_138 : i32 to index
        %parallel_loop3A_201 = tpu.vector_load %arg11[%parallel_loop3A_199, %parallel_loop3A_200] {strides = array<i32>} : memref<8x2048xf32, #tpu.memory_space<vmem>>, vector<16xf32>,
        tpu.vector_store %arg11[%parallel_loop3A_199, %parallel_loop3A_200], %parallel_loop3A_197 {strides = array<i32>} : memref<8x2048xf32, #tpu.memory_space<vmem>>, vector<16xf32>,
        %parallel_loop3A_202 = arith.constant 7 : i32
        %parallel_loop3A_203 = arith.index_cast %parallel_loop3A_202 : i32 to index
        %parallel_loop3A_204 = arith.index_cast %parallel_loop3A_138 : i32 to index
        %parallel_loop3A_205 = tpu.vector_load %arg7[%parallel_loop3A_203, %parallel_loop3A_204] {strides = array<i32>} : memref<8x2048xi32, #tpu.memory_space<vmem>>, vector<16xi32>,
        %parallel_loop3A_206 = tpu.vector_load_idx %arg5[%parallel_loop3A_205] : memref<16xf32, #tpu.memory_space<vmem>>[vector<16xi32>], vector<16xf32>,
        %parallel_loop3A_207 = arith.constant 7 : i32
        %parallel_loop3A_208 = arith.index_cast %parallel_loop3A_207 : i32 to index
        %parallel_loop3A_209 = arith.index_cast %parallel_loop3A_138 : i32 to index
        %parallel_loop3A_210 = tpu.vector_load %arg11[%parallel_loop3A_208, %parallel_loop3A_209] {strides = array<i32>} : memref<8x2048xf32, #tpu.memory_space<vmem>>, vector<16xf32>,
        tpu.vector_store %arg11[%parallel_loop3A_208, %parallel_loop3A_209], %parallel_loop3A_206 {strides = array<i32>} : memref<8x2048xf32, #tpu.memory_space<vmem>>, vector<16xf32>,
        %parallel_loop3A_211 = arith.constant 0 : i32
        %parallel_loop3A_212 = arith.index_cast %parallel_loop3A_211 : i32 to index
        %parallel_loop3A_213 = arith.index_cast %parallel_loop3A_138 : i32 to index
        %parallel_loop3A_214 = tpu.vector_load %arg9[%parallel_loop3A_212, %parallel_loop3A_213] {strides = array<i32>} : memref<1x2048xi32, #tpu.memory_space<vmem>>, vector<16xi32>,
        %parallel_loop3A_215 = tpu.vector_load_idx %arg5[%parallel_loop3A_214] : memref<16xf32, #tpu.memory_space<vmem>>[vector<16xi32>], vector<16xf32>,
        %parallel_loop3A_216 = arith.constant 0 : i32
        %parallel_loop3A_217 = arith.index_cast %parallel_loop3A_216 : i32 to index
        %parallel_loop3A_218 = arith.index_cast %parallel_loop3A_138 : i32 to index
        %parallel_loop3A_219 = tpu.vector_load %arg13[%parallel_loop3A_217, %parallel_loop3A_218] {strides = array<i32>} : memref<1x2048xf32, #tpu.memory_space<vmem>>, vector<16xf32>,
        tpu.vector_store %arg13[%parallel_loop3A_217, %parallel_loop3A_218], %parallel_loop3A_215 {strides = array<i32>} : memref<1x2048xf32, #tpu.memory_space<vmem>>, vector<16xf32>,
      } {sc.loop_unroll_factor = 2 : i64, sc.parallel_access}
      %add3A_118 = arith.constant 1 : i32
      %add3A_119 = arith.addi %mul3A_56, %add3A_118 : i32
      %mul3A_120 = arith.constant 2048 : i32
      %mul3A_121 = arith.muli %add3A_119, %mul3A_120 : i32
      %min3A_122 = arith.constant 9344 : i32
      %min3A_123 = arith.minsi %mul3A_121, %min3A_122 : i32
      %add3A_124 = arith.addi %min3A_3, %min3A_123 : i32
      %dma_start3A_125 = arith.constant 0 : i32
      %dma_start3A_126 = tpu.memref_slice %arg4[%dma_start3A_125, %add3A_124] : memref<9x362880xf32, #tpu.memory_space<hbm>> -> memref<8x2048xf32, #tpu.memory_space<hbm>>
      %dma_start3A_127 = arith.constant 0 : i32
      %dma_start3A_128 = tpu.memref_slice %arg4[%dma_start3A_127, %add3A_124] : memref<9x362880xf32, #tpu.memory_space<hbm>> -> memref<8x2048xf32, #tpu.memory_space<hbm>>
      tpu.enqueue_dma source(%arg11 : memref<8x2048xf32, #tpu.memory_space<vmem>>) target(%dma_start3A_128 : memref<8x2048xf32, #tpu.memory_space<hbm>>) target_semaphore(%arg17 : memref<!tpu.dma_semaphore, #tpu.memory_space<semaphore_mem>>)
      %dma_start3A_129 = arith.constant 8 : i32
      %dma_start3A_130 = tpu.memref_slice %arg4[%dma_start3A_129, %add3A_124] : memref<9x362880xf32, #tpu.memory_space<hbm>> -> memref<1x2048xf32, #tpu.memory_space<hbm>>
      %dma_start3A_131 = arith.constant 8 : i32
      %dma_start3A_132 = tpu.memref_slice %arg4[%dma_start3A_131, %add3A_124] : memref<9x362880xf32, #tpu.memory_space<hbm>> -> memref<1x2048xf32, #tpu.memory_space<hbm>>
      tpu.enqueue_dma source(%arg13 : memref<1x2048xf32, #tpu.memory_space<vmem>>) target(%dma_start3A_132 : memref<1x2048xf32, #tpu.memory_space<hbm>>) target_semaphore(%arg17 : memref<!tpu.dma_semaphore, #tpu.memory_space<semaphore_mem>>)
      %lt3A_133 = arith.constant 2 : i32
      %lt3A_134 = arith.cmpi slt, %scan3A_54, %lt3A_133 : i32
      %convert_element_type3A_135 = arith.extui %lt3A_134 : i1 to i32
      %cond3A_136 = arith.constant 0 : i32
      %cond3A_137 = arith.cmpi ne, %convert_element_type3A_135, %cond3A_136 : i32
      scf.if %cond3A_137 {
        %add3A_138 = arith.constant 1 : i32
        %add3A_139 = arith.addi %mul3A_56, %add3A_138 : i32
        %add3A_140 = arith.constant 2 : i32
        %add3A_141 = arith.addi %add3A_139, %add3A_140 : i32
        %mul3A_142 = arith.constant 2048 : i32
        %mul3A_143 = arith.muli %add3A_141, %mul3A_142 : i32
        %min3A_144 = arith.constant 9344 : i32
        %min3A_145 = arith.minsi %mul3A_143, %min3A_144 : i32
        %add3A_146 = arith.addi %min3A_3, %min3A_145 : i32
        %dma_start3A_147 = arith.constant 0 : i32
        %dma_start3A_148 = tpu.memref_slice %arg3[%dma_start3A_147, %add3A_146] : memref<9x362880xi32, #tpu.memory_space<hbm>> -> memref<8x2048xi32, #tpu.memory_space<hbm>>
        %dma_start3A_149 = arith.constant 0 : i32
        %dma_start3A_150 = tpu.memref_slice %arg3[%dma_start3A_149, %add3A_146] : memref<9x362880xi32, #tpu.memory_space<hbm>> -> memref<8x2048xi32, #tpu.memory_space<hbm>>
        tpu.enqueue_dma source(%dma_start3A_150 : memref<8x2048xi32, #tpu.memory_space<hbm>>) target(%arg7 : memref<8x2048xi32, #tpu.memory_space<vmem>>) target_semaphore(%arg15 : memref<!tpu.dma_semaphore, #tpu.memory_space<semaphore_mem>>)
        %dma_start3A_151 = arith.constant 8 : i32
        %dma_start3A_152 = tpu.memref_slice %arg3[%dma_start3A_151, %add3A_146] : memref<9x362880xi32, #tpu.memory_space<hbm>> -> memref<1x2048xi32, #tpu.memory_space<hbm>>
        %dma_start3A_153 = arith.constant 8 : i32
        %dma_start3A_154 = tpu.memref_slice %arg3[%dma_start3A_153, %add3A_146] : memref<9x362880xi32, #tpu.memory_space<hbm>> -> memref<1x2048xi32, #tpu.memory_space<hbm>>
        tpu.enqueue_dma source(%dma_start3A_154 : memref<1x2048xi32, #tpu.memory_space<hbm>>) target(%arg9 : memref<1x2048xi32, #tpu.memory_space<vmem>>) target_semaphore(%arg15 : memref<!tpu.dma_semaphore, #tpu.memory_space<semaphore_mem>>)
      } else {
      }
    }
    %scan3A_30 = arith.constant 3 : i32
    %min3A_31 = arith.constant 8192 : i32
    %min3A_32 = arith.constant 9344 : i32
    %min3A_33 = arith.minsi %min3A_31, %min3A_32 : i32
    %add3A_34 = arith.addi %min3A_3, %min3A_33 : i32
    %dma_wait3A = arith.constant 0 : i32
    %dma_wait3A_35 = tpu.memref_slice %arg4[%dma_wait3A, %add3A_34] : memref<9x362880xf32, #tpu.memory_space<hbm>> -> memref<8x2048xf32, #tpu.memory_space<hbm>>
    %dma_wait3A_36 = arith.constant 0 : i32
    %dma_wait3A_37 = tpu.memref_slice %arg4[%dma_wait3A_36, %add3A_34] : memref<9x362880xf32, #tpu.memory_space<hbm>> -> memref<8x2048xf32, #tpu.memory_space<hbm>>
    tpu.wait_dma2 semaphore(%arg16 : memref<!tpu.dma_semaphore, #tpu.memory_space<semaphore_mem>>) src(%arg10 : memref<8x2048xf32, #tpu.memory_space<vmem>>) dst(%dma_wait3A_37 : memref<8x2048xf32, #tpu.memory_space<hbm>>)
    %dma_wait3A_38 = arith.constant 8 : i32
    %dma_wait3A_39 = tpu.memref_slice %arg4[%dma_wait3A_38, %add3A_34] : memref<9x362880xf32, #tpu.memory_space<hbm>> -> memref<1x2048xf32, #tpu.memory_space<hbm>>
    %dma_wait3A_40 = arith.constant 8 : i32
    %dma_wait3A_41 = tpu.memref_slice %arg4[%dma_wait3A_40, %add3A_34] : memref<9x362880xf32, #tpu.memory_space<hbm>> -> memref<1x2048xf32, #tpu.memory_space<hbm>>
    tpu.wait_dma2 semaphore(%arg16 : memref<!tpu.dma_semaphore, #tpu.memory_space<semaphore_mem>>) src(%arg12 : memref<1x2048xf32, #tpu.memory_space<vmem>>) dst(%dma_wait3A_41 : memref<1x2048xf32, #tpu.memory_space<hbm>>)
    %min3A_42 = arith.constant 10240 : i32
    %min3A_43 = arith.constant 9344 : i32
    %min3A_44 = arith.minsi %min3A_42, %min3A_43 : i32
    %add3A_45 = arith.addi %min3A_3, %min3A_44 : i32
    %dma_wait3A_46 = arith.constant 0 : i32
    %dma_wait3A_47 = tpu.memref_slice %arg4[%dma_wait3A_46, %add3A_45] : memref<9x362880xf32, #tpu.memory_space<hbm>> -> memref<8x2048xf32, #tpu.memory_space<hbm>>
    %dma_wait3A_48 = arith.constant 0 : i32
    %dma_wait3A_49 = tpu.memref_slice %arg4[%dma_wait3A_48, %add3A_45] : memref<9x362880xf32, #tpu.memory_space<hbm>> -> memref<8x2048xf32, #tpu.memory_space<hbm>>
    tpu.wait_dma2 semaphore(%arg17 : memref<!tpu.dma_semaphore, #tpu.memory_space<semaphore_mem>>) src(%arg11 : memref<8x2048xf32, #tpu.memory_space<vmem>>) dst(%dma_wait3A_49 : memref<8x2048xf32, #tpu.memory_space<hbm>>)
    %dma_wait3A_50 = arith.constant 8 : i32
    %dma_wait3A_51 = tpu.memref_slice %arg4[%dma_wait3A_50, %add3A_45] : memref<9x362880xf32, #tpu.memory_space<hbm>> -> memref<1x2048xf32, #tpu.memory_space<hbm>>
    %dma_wait3A_52 = arith.constant 8 : i32
    %dma_wait3A_53 = tpu.memref_slice %arg4[%dma_wait3A_52, %add3A_45] : memref<9x362880xf32, #tpu.memory_space<hbm>> -> memref<1x2048xf32, #tpu.memory_space<hbm>>
    tpu.wait_dma2 semaphore(%arg17 : memref<!tpu.dma_semaphore, #tpu.memory_space<semaphore_mem>>) src(%arg13 : memref<1x2048xf32, #tpu.memory_space<vmem>>) dst(%dma_wait3A_53 : memref<1x2048xf32, #tpu.memory_space<hbm>>)
    return
  }
}

</mosaic_0001>

<sc_bundles>
// kernel: kernel.3.cloned.1.call-start
scs
__scs_entry_jumppad:
0x0: {  	(pc) =	sbr.rel $0x88, $3  }
0x1: {  	(tag) =	ssettag $0x0;
	lr =	simm.s32 $0x1  }
0x2: {  	[smem:$0x3F9F] =	sst lr;
	_ =	strace $0xD0000000  }
0x3: {  	_ = 	snop  }
0x4: {  	_ = 	snop  }
0x5: {  	_ = 	snop  }
0x6: {  	_ = 	snop  }
0x7: {  	_ = 	snop  }
__scs_overlays_trampoline_lowered:
0x8: {  	[smem:$0x3FAE] =	sst s0  }
0x9: {  	[smem:$0x3FAF] =	sst s1  }
0xa: {  	[smem:$0x3FB0] =	sst s2  }
0xb: {  	[smem:$0x3FB1] =	sst s3  }
0xc: {  	[smem:$0x3FB2] =	sst s4  }
0xd: {  	[smem:$0x3FB3] =	sst s5  }
0xe: {  	[smem:$0x3FB4] =	sst s6  }
0xf: {  	[smem:$0x3FB5] =	sst s7  }
0x10: {  	[smem:$0x3FB6] =	sst s8  }
0x11: {  	[smem:$0x3FB7] =	sst s9;
	s0 =	simm.s32 @!p0 $0x0  }
0x12: {  	s1 =	sld [smem:$0x3F9D];
	s0 =	simm.s32 @p0 $0x1  }
0x13: {  	[smem:$0x3FB8] =	sst s0;
	s0 =	simm.s32 @!p1 $0x0  }
0x14: {  	s2 =	sld [smem:$0x3F9C];
	s0 =	simm.s32 @p1 $0x1  }
0x15: {  	[smem:$0x3FB9] =	sst s0;
	s0 =	simm.s32 @!p2 $0x0  }
0x16: {  	s3 =	sld [smem:$0x3FDB];
	s0 =	simm.s32 @p2 $0x1  }
0x17: {  	s4 =	simm.s32 $0x1BF5;
	[smem:$0x3FBB] =	sst s0  }
0x18: {  	s0 =	sld [smem:$0x3F9E];
	_ =	swait.ge [sflag:s4], $0x0  }
0x19: {  	s7 =	sld [smem:$0x3F9F]  }
0x1a: {  	s8 =	sadd.s32 $0xFFFFE003, lr  }
0x1b: {  	s9 =	sadd.s32 $0xFFFFFEF7, lr;
	s5 =	simm.s32 $0xFFFFFFFF;
	p2 =	slt.u32 s8, $0xFFFFF086  }
0x1c: {  	p1 =	slt.u32 s9, $0xF7A;
	s5 =	simm.s32 @!p2 $0x0  }
0x1d: {  	s5 =	simm.s32 @p1 $0x1;
	p0 =	seq.s32 s7, s2  }
0x1e: {  	s7 =	smul.u32 @!p0 $0xF7A, s2;
	p2 =	seq.s32 @!p0 s5, $0x0  }
0x1f: {  	s9 =	smul.u32 $0xF7A, s1;
	s8 =	simm.s32 @!p0 $0x1BF5;
	p2 =	por !p2, p0  }
0x20: {  	[sflag:s8] =	ssyncset.s32 @!p0 $0xFFFFF086;
	s6 =	sadd.s32 @!p0 s3, s7;
	s7 =	simm.s32 @!p0 $0x108  }
0x21: {  	s3 =	sadd.s32 s3, s9;
	s6 =	sadd.s32 @!p0 $0x88, s6;
	s7 =	simm.s32 @p2 $0x1082  }
0x22: {  	[simem:s7], [sflag:s8] =	dma.local @!p0 [hbm:s6], $0xF7A  }
0x23: {  	s9 =	sor.u32 $0xD0000000, s2;
	s6 =	simm.s32 $0x108;
	_ =	swait.ge @!p0 [sflag:s8], $0x0  }
0x24: {  	s3 =	sadd.s32 $0x88, s3;
	s6 =	simm.s32 @!p1 $0x1082;
	[sflag:s4] =	ssyncset.s32 $0xFFFFF086  }
0x25: {  	[simem:s6], [sflag:s4] =	dma.local [hbm:s3], $0xF7A  }
0x26: {  	[smem:$0x3F9F] =	sst s1;
	(tag) =	ssettag s2;
	_ =	strace s9  }
0x27: {  	s1 =	sld [smem:$0x3FAF]  }
0x28: {  	s2 =	sld [smem:$0x3FB0]  }
0x29: {  	s4 =	sld [smem:$0x3FB2]  }
0x2a: {  	p0 =	seq.s32 s5, $0x0;
	s5 =	sld [smem:$0x3FB3]  }
0x2b: {  	s6 =	sld [smem:$0x3FB4]  }
0x2c: {  	s7 =	sld [smem:$0x3FB5]  }
0x2d: {  	s3 =	simm.s32 $0x108;
	s8 =	sld [smem:$0x3FB6]  }
0x2e: {  	s3 =	simm.s32 @!p0 $0x1082;
	s9 =	sld [smem:$0x3FB7]  }
0x2f: {  	lr =	sadd.s32 s0, s3;
	s0 =	sld [smem:$0x3FAE]  }
0x30: {  	s3 =	sld [smem:$0x3FB1]  }
0x31: {  	[smem:$0x3FBA] =	sst s10  }
0x32: {  	s10 =	sld [smem:$0x3FB8];
	_ =	sdelay $0x3  }
0x33: {  	p0 =	seq.s32 s10, $0x1;
	s10 =	sld [smem:$0x3FBA];
	_ =	sdelay $0x3  }
0x34: {  	[smem:$0x3FBA] =	sst s10  }
0x35: {  	s10 =	sld [smem:$0x3FB9];
	_ =	sdelay $0x3  }
0x36: {  	p1 =	seq.s32 s10, $0x1;
	s10 =	sld [smem:$0x3FBA];
	_ =	sdelay $0x3  }
0x37: {  	[smem:$0x3FBA] =	sst s10  }
0x38: {  	s10 =	sld [smem:$0x3FBB]  }
0x39: {  	_ = 	snop;
	(pc) =	sbr.ind lr, $3  }
0x3a: {  	_ = 	snop  }
0x3b: {  	_ = 	snop  }
0x3c: {  	p2 =	seq.s32 s10, $0x1;
	s10 =	sld [smem:$0x3FBA]  }
0x3d: {  	_ =	shalt  }
0x3e: {  	_ =	shalt  }
0x3f: {  	_ =	shalt  }
0x40: {  	_ =	shalt  }
0x41: {  	_ =	shalt  }
0x42: {  	_ =	shalt  }
0x43: {  	_ =	shalt  }
0x44: {  	_ =	shalt  }
0x45: {  	_ =	shalt  }
0x46: {  	_ =	shalt  }
0x47: {  	_ =	shalt  }
0x48: {  	_ =	shalt  }
0x49: {  	_ =	shalt  }
0x4a: {  	_ =	shalt  }
0x4b: {  	_ =	shalt  }
0x4c: {  	_ =	shalt  }
0x4d: {  	_ =	shalt  }
0x4e: {  	_ =	shalt  }
0x4f: {  	_ =	shalt  }
0x50: {  	_ =	shalt  }
0x51: {  	_ =	shalt  }
0x52: {  	_ =	shalt  }
0x53: {  	_ =	shalt  }
0x54: {  	_ =	shalt  }
0x55: {  	_ =	shalt  }
0x56: {  	_ =	shalt  }
0x57: {  	_ =	shalt  }
0x58: {  	_ =	shalt  }
0x59: {  	_ =	shalt  }
0x5a: {  	_ =	shalt  }
0x5b: {  	_ =	shalt  }
0x5c: {  	_ =	shalt  }
0x5d: {  	_ =	shalt  }
0x5e: {  	_ =	shalt  }
0x5f: {  	_ =	shalt  }
0x60: {  	_ =	shalt  }
0x61: {  	_ =	shalt  }
0x62: {  	_ =	shalt  }
0x63: {  	_ =	shalt  }
0x64: {  	_ =	shalt  }
0x65: {  	_ =	shalt  }
0x66: {  	_ =	shalt  }
0x67: {  	_ =	shalt  }
0x68: {  	_ =	shalt  }
0x69: {  	_ =	shalt  }
0x6a: {  	_ =	shalt  }
0x6b: {  	_ =	shalt  }
0x6c: {  	_ =	shalt  }
0x6d: {  	_ =	shalt  }
0x6e: {  	_ =	shalt  }
0x6f: {  	_ =	shalt  }
0x70: {  	_ =	shalt  }
0x71: {  	_ =	shalt  }
0x72: {  	_ =	shalt  }
0x73: {  	_ =	shalt  }
0x74: {  	_ =	shalt  }
0x75: {  	_ =	shalt  }
0x76: {  	_ =	shalt  }
0x77: {  	_ =	shalt  }
0x78: {  	_ =	shalt  }
0x79: {  	_ =	shalt  }
0x7a: {  	_ =	shalt  }
0x7b: {  	_ =	shalt  }
0x7c: {  	_ =	shalt  }
0x7d: {  	_ =	shalt  }
0x7e: {  	_ =	shalt  }
0x7f: {  	_ =	shalt  }
0x80: {  	_ =	shalt  }
0x81: {  	_ =	shalt  }
0x82: {  	_ =	shalt  }
0x83: {  	_ =	shalt  }
0x84: {  	_ =	shalt  }
0x85: {  	_ =	shalt  }
0x86: {  	_ =	shalt  }
0x87: {  	_ =	shalt  }
.Lfunc_end0:
.L_simem_size_0:
called_computation_lowered:
.L_overlay_start_0:
0x88: {  	s2 =	sld [smem:$0x3FD9]  }
0x89: {  	s3 =	sld [smem:$0x3FFE];
	_ =	sdelay $0x1  }
0x8a: {  	s1 =	srdreg.scid  }
0x8b: {  	s0 =	sand.u32 $0x1, s1  }
0x8c: {  	s18 =	sshll.u32 s0, $0xA;
	s2 =	sadd.s32 s3, s2  }
0x8d: {  	s2 =	sadd.s32 s2, s18  }
0x8e: {  	[smem:$0x3FC6] =	sst s2  }
0x8f: {  	_ = 	snop  }
0x90: {  	s2 =	sld [smem:$0x3FC9]  }
0x91: {  	s19 =	sld [smem:$0x3FC8]  }
0x92: {  	s4 =	sld [smem:$0x3FD0];
	(tm) =	ssettm $0x1  }
0x93: {  	s5 =	sld [smem:$0x3FFB];
	_ =	sdelay $0x3  }
0x94: {  	_ =	strace s5  }
0x95: {  	s5 =	sld [smem:$0x3FFC];
	_ =	sdelay $0x3  }
0x96: {  	_ =	strace s5  }
0x97: {  	s5 =	sld [smem:$0x3FFD];
	_ =	sdelay $0x3  }
0x98: {  	_ =	strace s5  }
0x99: {  	_ =	strace $0x8FFFFFFF  }
0x9a: {  	s20 =	sld [smem:$0x3FDB];
	_ =	sdelay $0x1  }
0x9b: {  	s6 =	simm.s32 $_scs_section_size  }
0x9c: {  	s7 =	simm.s32 $_size__tile_overlayer_lowered;
	s8 =	simm.s32 $_tile_overlayer_lowered  }
0x9d: {  	s23 =	simm.s32 $0x1BFF;
	s22 =	sshll.u32 s8, $0x1;
	s5 =	sadd.s32 s6, s20  }
0x9e: {  	s9 =	simm.s32 $0x0;
	s21 =	sshll.u32 s7, $0x1;
	s7 =	sadd.s32 s22, s5  }
0x9f: {  	[timem:s9], [sflag:s23] =	dma.local [hbm:s7], s21  }
0xa0: {  	_ =	swait.ge [sflag:s23], s21  }
0xa1: {  	s6 =	ssub.s32 $0x0, s21;
	[sflag:s23] =	ssyncset.done $0x0  }
0xa2: {  	[sflag:s23] =	ssyncadd.s32 s6;
	_ =	sdelay $0x1  }
0xa3: {  	s24 =	simm.s32 $0x1B8B  }
0xa4: {  	_ =	swait.ge [sflag:s24], $0x1  }
0xa5: {  	[sflag:s24] =	ssyncset.done $0x0  }
0xa6: {  	s25 =	simm.s32 $0x1B8E;
	[sflag:s24] =	ssyncadd.s32 $0xFFFFFFFF  }
0xa7: {  	s26 =	simm.s32 $execute0_lowered;
	[smem:$0x3FD2] =	sst s25  }
0xa8: {  	s6 =	sshll.u32 s26, $0x1;
	_ =	strace $0x80000046;
	[dreg:$0x1] =	wrdreg $0xFFFFFFFF  }
0xa9: {  	s28 =	simm.s32 $_size_execute0_lowered;
	s5 =	sadd.s32 s5, s6;
	[dreg:$0x0] =	wrdreg $0x0  }
0xaa: {  	s6 =	sshll.u32 s28, $0x1;
	[dreg:$0x2] =	wrdreg s5  }
0xab: {  	[dreg:$0x3] =	wrdreg s6  }
0xac: {  	[dreg:$0x4] =	wrdreg $0xC0  }
0xad: {  	_ =	task [dreg:s9], $0x5FFFF  }
0xae: {  	[dreg:$0x1] =	wrdreg $0xFFFFFFFF  }
0xaf: {  	[dreg:$0x0] =	wrdreg $0x60  }
0xb0: {  	[dreg:$0x2] =	wrdreg s2  }
0xb1: {  	[dreg:$0x3] =	wrdreg s19  }
0xb2: {  	[dreg:$0x4] =	wrdreg s4  }
0xb3: {  	[dreg:$0x5] =	wrdreg $0x9  }
0xb4: {  	_ =	task.clear_ibuf [dreg:s9], $0x6FFFF;
	_ =	strace $0x90000046  }
0xb5: {  	s29 =	simm.s32 $0x9;
	_ =	strace $0x80000048  }
0xb6: {  	_ =	swait.ge [sflag:s29], $0x1  }
0xb7: {  	[sflag:s29] =	ssyncadd.s32 $0xFFFFFFFF  }
0xb8: {  	_ =	strace $0x90000048  }
0xb9: {  	_ =	sfence  }
0xba: {  	s30 =	sld [smem:$0x0];
	_ =	sdelay $0x2  }
0xbb: {  	s31 =	sshll.u32 s1, $0xD;
	s1 =	sshrl.u32 s1, $0x2  }
0xbc: {  	s3 =	sand.u32 $0x4000, s31;
	s1 =	sadd.s32 s1, s30  }
0xbd: {  	s0 =	sor.u32 s3, s0;
	s1 =	sshll.u32 s1, $0x11  }
0xbe: {  	s0 =	sor.u32 s1, s0  }
0xbf: {  	s0 =	sadd.s32 $0x8F2B, s0  }
0xc0: {  	[sflag:s0] =	ssyncadd.remote.s32 $0x1  }
0xc1: {  	_ =	sfence.sel $0xFFFF  }
0xc2: {  	[dreg:$0x0] =	wrdreg $0xFFFFFFFF;
	(pc) =	sbr.abs _section_cstart, $3  }
0xc3: {  	[dreg:$0x1] =	wrdreg $0xFFFFFFFF  }
0xc4: {  	_ =	task.clear_ibuf [dreg:s9], $0x2FFFF;
	_ =	strace $0x9FFFFFFF  }
0xc5: {  	(tm) =	ssettm $0x7FFFFFFF  }
tec
execute0_lowered:
.L_overlay_start_1:
0x0: {  	(tag) =	ssettag $0x1  }
0x1: {  	s3 =	rddreg [dreg:$0x1]  }
0x2: {  	s0 =	srdreg.scid;
	s1 =	stileid.u32  }
0x3: {  	s4 =	rddreg [dreg:$0x2];
	s0 =	sand.u32 $0x1, s0;
	s1 =	sshll.u32 s1, $0x1  }
0x4: {  	s5 =	simm.s32 $0x0;
	s1 =	sor.u32 s0, s1;
	s0 =	ssub.s32 $0x2, s0  }
0x5: {  	[smem:$0x7FF] =	sst s5;
	s1 =	smul.u32 $0x2C80, s1;
	s2 =	sshrl.u32 s0, $0x1  }
0x6: {  	s7 =	sadd.s32 $0x58980, s3;
	_ =	strace $0x80000047;
	s0 =	ssub.s32 s0, s2  }
0x7: {  	[dreg:$0xb] =	wrdreg s7;
	s6 =	smin.u32 s1, $0x55D00;
	s0 =	smax.u32 s0, $0x1  }
0x8: {  	s22 =	simm.s32 $0x1;
	s26 =	sadd.s32 s6, s7;
	[dreg:$0xa] =	wrdreg s0  }
0x9: {  	s25 =	simm.s32 $0x2;
	s1 =	sadd.s32 s3, s6;
	[dreg:$0x5] =	wrdreg s26  }
.Ltmp0:
0xa: {  	s29 =	sadd.s32 $0x1000, s6;
	[dreg:$0x4] =	wrdreg s1;
	(pc) =	sbr.rel .LBB2_1-.Ltmp0, $4  }
0xb: {  	s30 =	simm.s32 $0x4;
	s31 =	sadd.s32 $0x1800, s6;
	[dreg:$0x8] =	wrdreg s29  }
0xc: {  	s12 =	sadd.s32 $0x58980, s4;
	s28 =	sadd.s32 $0x800, s1;
	[dreg:$0x9] =	wrdreg s31  }
0xd: {  	s3 =	simm.s32 $0x80;
	s1 =	sadd.s32 $0x59180, s1;
	[dreg:$0x6] =	wrdreg s28  }
0xe: {  	s7 =	simm.s32 $0x400;
	[dreg:$0x7] =	wrdreg s1;
	s1 =	simm.s32 $0x0  }
.LBB2_8:
0xf: {  	s0 =	simm.s32 $0x3  }
0x10: {  	_ =	swait.ge [sflag:s0], $0x4000  }
0x11: {  	[sflag:s0] =	ssyncset.done $0x0  }
0x12: {  	[sflag:s0] =	ssyncadd.s32 $0xFFFFC000  }
0x13: {  	_ =	swait.ge [sflag:s0], $0x800  }
0x14: {  	[sflag:s0] =	ssyncset.done $0x0  }
0x15: {  	[sflag:s0] =	ssyncadd.s32 $0xFFFFF800  }
0x16: {  	_ =	swait.ge [sflag:s30], $0x4000  }
0x17: {  	[sflag:s30] =	ssyncset.done $0x0  }
0x18: {  	[sflag:s30] =	ssyncadd.s32 $0xFFFFC000  }
0x19: {  	_ =	swait.ge [sflag:s30], $0x800  }
0x1a: {  	s1 =	rddreg [dreg:$0xc]  }
0x1b: {  	s31 =	rddreg [dreg:$0xa];
	s1 =	sadd.s32 $0x1, s1  }
0x1c: {  	p0 =	sne.s32 s1, s31  }
.Ltmp1:
0x1d: {  	_ = 	snop;
	(pc) =	sbr.rel @!p0 .LBB2_9-.Ltmp1, $3  }
0x1e: {  	_ =	sdelay $0x1  }
0x1f: {  	[sflag:s30] =	ssyncset.done $0x0  }
0x20: {  	[sflag:s30] =	ssyncadd.s32 $0xFFFFF800  }
.LBB2_1:
0x21: {  	[dreg:$0xc] =	wrdreg s1  }
0x22: {  	s0 =	rddreg [dreg:$0x4]  }
0x23: {  	[tilespmem:s3], [sflag:$0x1] =	stream.linear.gather [hbm4b:s0+s5], $0x4000, $0x38;
	[tilespmem:$0x12080] =	vst v63  }
0x24: {  	s20 =	rddreg [dreg:$0x5];
	s21 =	simm.s32 $0x8080  }
0x25: {  	[tilespmem:s21], [sflag:$0x1] =	stream.strided.gather [hbm4b:s20+s3], $0x800, s7, s3, $0x38;
	[tilespmem:$0x12080] =	vst v63  }
0x26: {  	s23 =	rddreg [dreg:$0x6];
	s24 =	simm.s32 $0x4080  }
0x27: {  	[tilespmem:s24], [sflag:$0x2] =	stream.linear.gather [hbm4b:s23+s5], $0x4000, $0x38;
	[tilespmem:$0x12080] =	vst v63  }
0x28: {  	s26 =	rddreg [dreg:$0x7];
	s28 =	simm.s32 $0x400;
	s2 =	simm.s32 $0x8880  }
0x29: {  	[tilespmem:s2], [sflag:$0x2] =	stream.strided.gather [hbm4b:s26+s3], $0x800, s28, s3, $0x38;
	[tilespmem:$0x12080] =	vst v63  }
0x2a: {  	s29 =	rddreg [dreg:$0x0];
	s31 =	simm.s32 $0x5  }
0x2b: {  	[tilespmem:s5], [sflag:$0x5] =	stream.linear.gather [hbm4b:s29+s5], $0x9, $0x38;
	[tilespmem:$0x12080] =	vst v63  }
0x2c: {  	_ =	swait.ge [sflag:s31], $0x9  }
0x2d: {  	[sflag:s31] =	ssyncset.done $0x0  }
0x2e: {  	s7 =	simm.s32 $0x80;
	s2 =	simm.s32 $0x0;
	[sflag:s31] =	ssyncadd.s32 $0xFFFFFFF7  }
.LBB2_2:
0x2f: {  	p0 =	seq.s32 s2, $0x0  }
0x30: {  	s0 =	simm.s32 @!p0 $0x3  }
0x31: {  	_ =	swait.ge @!p0 [sflag:s0], $0x4000  }
0x32: {  	[sflag:s0] =	ssyncset.done @!p0 $0x0  }
0x33: {  	[sflag:s0] =	ssyncadd.s32 @!p0 $0xFFFFC000  }
0x34: {  	_ =	swait.ge @!p0 [sflag:s0], $0x800  }
0x35: {  	[sflag:s0] =	ssyncset.done @!p0 $0x0  }
0x36: {  	[sflag:s0] =	ssyncadd.s32 @!p0 $0xFFFFF800  }
0x37: {  	_ =	swait.ge [sflag:s22], $0x4000  }
0x38: {  	[sflag:s22] =	ssyncset.done $0x0  }
0x39: {  	s16 =	simm.s32 $0x0;
	[sflag:s22] =	ssyncadd.s32 $0xFFFFC000  }
0x3a: {  	s9 =	simm.s32 $0x0;
	s1 =	sand.u32 $0x60, s16;
	_ =	swait.ge [sflag:s22], $0x800  }
0x3b: {  	s8 =	sand.u32 $0x3C00, s9;
	s3 =	sor.u32 $0x10, s1;
	[sflag:s22] =	ssyncset.done $0x0  }
0x3c: {  	s14 =	sor.u32 s3, s8;
	[sflag:s22] =	ssyncadd.s32 $0xFFFFF800  }
0x3d: {  	v0 =	vld [tilespmem:s14+$0x80];
	_ =	sdelay $0x5  }
0x3e: {  	v1 =	vld [tilespmem:s14+$0x100];
	_ =	sdelay $0x1  }
0x3f: {  	v0 =	vld.idx.msk [tilespmem:v0+s5+$0x0], $0xffff;
	_ =	sdelay $0x3  }
0x40: {  	s8 =	sor.u32 s1, s8;
	v2 =	vld [tilespmem:s14+$0x180]  }
0x41: {  	v3 =	vld [tilespmem:s8+$0x80];
	[tilespmem:s14+$0x9080] =	vst v0  }
0x42: {  	v0 =	vld.idx.msk [tilespmem:v1+s5+$0x0], $0xffff;
	_ =	sdelay $0x3  }
0x43: {  	v1 =	vld [tilespmem:s14+$0x200]  }
0x44: {  	v4 =	vld [tilespmem:s8+$0x100];
	[tilespmem:s14+$0x9100] =	vst v0  }
0x45: {  	v0 =	vld.idx.msk [tilespmem:v2+s5+$0x0], $0xffff;
	_ =	sdelay $0x1  }
0x46: {  	v2 =	vld.idx.msk [tilespmem:v3+s5+$0x0], $0xffff;
	_ =	sdelay $0x1  }
0x47: {  	v3 =	vld [tilespmem:s14+$0x280]  }
0x48: {  	v5 =	vld [tilespmem:s8+$0x180];
	[tilespmem:s14+$0x9180] =	vst v0  }
0x49: {  	v0 =	vld.idx.msk [tilespmem:v1+s5+$0x0], $0xffff  }
0x4a: {  	[tilespmem:s8+$0x9080] =	vst v2  }
0x4b: {  	v1 =	vld.idx.msk [tilespmem:v4+s5+$0x0], $0xffff  }
0x4c: {  	s1 =	simm.s32 $0x20  }
0x4d: {  	s10 =	simm.s32 $0x100;
	s11 =	sand.u32 $0x60, s1;
	v2 =	vld [tilespmem:s14+$0x300]  }
0x4e: {  	s15 =	sand.u32 $0x3C00, s10;
	s10 =	sor.u32 $0x10, s11;
	v4 =	vld [tilespmem:s8+$0x200];
	[tilespmem:s14+$0x9200] =	vst v0  }
0x4f: {  	s19 =	sor.u32 s10, s15;
	v0 =	vld.idx.msk [tilespmem:v3+s5+$0x0], $0xffff  }
0x50: {  	[tilespmem:s8+$0x9100] =	vst v1;
	v1 =	vld [tilespmem:s19+$0x80]  }
0x51: {  	v3 =	vld.idx.msk [tilespmem:v5+s5+$0x0], $0xffff  }
0x52: {  	s11 =	sor.u32 s11, s15;
	v6 =	vld [tilespmem:s8+$0x280]  }
0x53: {  	v5 =	vld [tilespmem:s11+$0x80]  }
0x54: {  	v7 =	vld [tilespmem:s8+$0x300];
	[tilespmem:s14+$0x9280] =	vst v0  }
0x55: {  	v0 =	vld.idx.msk [tilespmem:v2+s5+$0x0], $0xffff  }
0x56: {  	[tilespmem:s8+$0x9180] =	vst v3;
	v2 =	vld [tilespmem:s19+$0x100]  }
0x57: {  	s9 =	sand.u32 $0x3, s9;
	v3 =	vld.idx.msk [tilespmem:v4+s5+$0x0], $0xffff  }
0x58: {  	s9 =	sshll.u32 s9, $0x5;
	v4 =	vld [tilespmem:s11+$0x100]  }
0x59: {  	s17 =	sadd.s32 $0x0, s9;
	v1 =	vld.idx.msk [tilespmem:v1+s5+$0x0], $0xffff  }
0x5a: {  	s9 =	sadd.s32 $0x10, s17;
	v8 =	vld [tilespmem:s19+$0x180]  }
0x5b: {  	s24 =	sor.u32 $0x300, s9;
	v5 =	vld.idx.msk [tilespmem:v5+s5+$0x0], $0xffff;
	[tilespmem:s14+$0x9300] =	vst v0  }
0x5c: {  	[tilespmem:s8+$0x9200] =	vst v3;
	v0 =	vld [tilespmem:s24+$0x80]  }
0x5d: {  	v3 =	vld.idx.msk [tilespmem:v6+s5+$0x0], $0xffff  }
0x5e: {  	v9 =	vld [tilespmem:s11+$0x180];
	[tilespmem:s19+$0x9080] =	vst v1  }
0x5f: {  	v1 =	vld.idx.msk [tilespmem:v2+s5+$0x0], $0xffff  }
0x60: {  	v6 =	vld [tilespmem:s11+$0x280];
	[tilespmem:s11+$0x9080] =	vst v5  }
0x61: {  	v4 =	vld.idx.msk [tilespmem:v4+s5+$0x0], $0xffff  }
0x62: {  	v5 =	vld [tilespmem:s19+$0x200];
	[tilespmem:s8+$0x9280] =	vst v3  }
0x63: {  	v3 =	vld.idx.msk [tilespmem:v7+s5+$0x0], $0xffff  }
0x64: {  	[tilespmem:s19+$0x9100] =	vst v1;
	v0 =	vld.idx.msk [tilespmem:v0+s5+$0x0], $0xffff  }
0x65: {  	v1 =	vld.idx.msk [tilespmem:v8+s5+$0x0], $0xffff  }
0x66: {  	v2 =	vld [tilespmem:s11+$0x200];
	[tilespmem:s11+$0x9100] =	vst v4  }
0x67: {  	v4 =	vld.idx.msk [tilespmem:v9+s5+$0x0], $0xffff  }
0x68: {  	s20 =	sor.u32 $0x300, s17;
	v7 =	vld [tilespmem:s19+$0x280];
	[tilespmem:s8+$0x9300] =	vst v3  }
0x69: {  	s21 =	sor.u32 $0x380, s9;
	v3 =	vld [tilespmem:s20+$0x80];
	[tilespmem:s24+$0x9080] =	vst v0  }
0x6a: {  	[tilespmem:s19+$0x9180] =	vst v1;
	v0 =	vld [tilespmem:s21+$0x80]  }
0x6b: {  	v1 =	vld.idx.msk [tilespmem:v5+s5+$0x0], $0xffff  }
0x6c: {  	s26 =	simm.s32 $0x200;
	s8 =	simm.s32 $0x40;
	[tilespmem:s11+$0x9180] =	vst v4;
	v4 =	vld [tilespmem:s19+$0x300]  }
0x6d: {  	s23 =	sand.u32 $0x3C00, s26;
	s18 =	sand.u32 $0x60, s8;
	v5 =	vld [tilespmem:s11+$0x300]  }
0x6e: {  	s9 =	sor.u32 $0x10, s18;
	s18 =	sor.u32 s18, s23;
	v2 =	vld.idx.msk [tilespmem:v2+s5+$0x0], $0xffff  }
0x6f: {  	s14 =	sor.u32 s9, s23;
	v9 =	vld [tilespmem:s18+$0x100]  }
0x70: {  	v8 =	vld [tilespmem:s14+$0x80];
	[tilespmem:s19+$0x9200] =	vst v1  }
0x71: {  	v1 =	vld.idx.msk [tilespmem:v7+s5+$0x0], $0xffff  }
0x72: {  	v10 =	vld [tilespmem:s18+$0x180]  }
0x73: {  	v0 =	vld.idx.msk [tilespmem:v0+s5+$0x0], $0xffff  }
0x74: {  	v7 =	vld [tilespmem:s18+$0x80]  }
0x75: {  	v12 =	vld [tilespmem:s18+$0x280]  }
0x76: {  	v11 =	vld [tilespmem:s14+$0x100];
	[tilespmem:s19+$0x9280] =	vst v1  }
0x77: {  	s0 =	sand.u32 $0x780, s16;
	v1 =	vld.idx.msk [tilespmem:v4+s5+$0x0], $0xffff  }
0x78: {  	s4 =	simm.s32 $0x1;
	s0 =	sor.u32 s0, s3;
	v4 =	vld.idx.msk [tilespmem:v8+s5+$0x0], $0xffff;
	[tilespmem:s21+$0x9080] =	vst v0  }
0x79: {  	s13 =	sand.u32 $0x3, s4;
	[tilespmem:s11+$0x9200] =	vst v2;
	v0 =	vld [tilespmem:s0+$0x8080]  }
0x7a: {  	s3 =	sshll.u32 s13, $0x5;
	v6 =	vld.idx.msk [tilespmem:v6+s5+$0x0], $0xffff  }
0x7b: {  	v3 =	vld.idx.msk [tilespmem:v3+s5+$0x0], $0xffff;
	s21 =	sadd.s32 $0x100, s3  }
0x7c: {  	v7 =	vld.idx.msk [tilespmem:v7+s5+$0x0], $0xffff;
	s3 =	sadd.s32 $0x10, s21;
	[tilespmem:s19+$0x9300] =	vst v1  }
0x7d: {  	s16 =	sor.u32 $0x300, s3;
	[tilespmem:s14+$0x9080] =	vst v4;
	v4 =	vld [tilespmem:s14+$0x180]  }
0x7e: {  	v13 =	vld [tilespmem:s16+$0x80]  }
0x7f: {  	v2 =	vld.idx.msk [tilespmem:v11+s5+$0x0], $0xffff  }
0x80: {  	[tilespmem:s11+$0x9280] =	vst v6;
	v6 =	vld [tilespmem:s14+$0x280]  }
0x81: {  	[tilespmem:s18+$0x9080] =	vst v7;
	v1 =	vld.idx.msk [tilespmem:v0+s5+$0x0], $0xffff  }
0x82: {  	v0 =	vld.idx.msk [tilespmem:v9+s5+$0x0], $0xffff  }
0x83: {  	v9 =	vld [tilespmem:s14+$0x200]  }
0x84: {  	v8 =	vld [tilespmem:s18+$0x200];
	[tilespmem:s14+$0x9100] =	vst v2  }
0x85: {  	s19 =	simm.s32 $0x60;
	v4 =	vld.idx.msk [tilespmem:v4+s5+$0x0], $0xffff  }
0x86: {  	s23 =	sor.u32 $0x380, s17;
	[tilespmem:s20+$0x9080] =	vst v3;
	s20 =	simm.s32 $0x300;
	s17 =	sand.u32 $0x60, s19;
	v7 =	vld [tilespmem:s18+$0x300]  }
0x87: {  	s4 =	sand.u32 $0x3C00, s20;
	s20 =	sor.u32 $0x10, s17;
	v2 =	vld.idx.msk [tilespmem:v13+s5+$0x0], $0xffff  }
0x88: {  	s24 =	sor.u32 $0x380, s3;
	s3 =	sor.u32 s20, s4;
	[tilespmem:s18+$0x9100] =	vst v0;
	v0 =	vld.idx.msk [tilespmem:v5+s5+$0x0], $0xffff  }
0x89: {  	v53 =	vld [tilespmem:s3+$0x100]  }
0x8a: {  	v5 =	vld.idx.msk [tilespmem:v10+s5+$0x0], $0xffff;
	[tilespmem:s14+$0x9180] =	vst v4  }
0x8b: {  	v3 =	vld.idx.msk [tilespmem:v9+s5+$0x0], $0xffff  }
0x8c: {  	[tilespmem:s16+$0x9080] =	vst v2;
	v9 =	vld [tilespmem:s23+$0x80]  }
0x8d: {  	s26 =	sor.u32 $0x300, s21;
	v2 =	vld [tilespmem:s24+$0x80];
	[tilespmem:s11+$0x9300] =	vst v0  }
0x8e: {  	v0 =	vld [tilespmem:s26+$0x80]  }
0x8f: {  	s11 =	sor.u32 s17, s4;
	[tilespmem:s18+$0x9180] =	vst v5;
	v5 =	vld [tilespmem:s3+$0x80]  }
0x90: {  	v10 =	vld [tilespmem:s11+$0x100]  }
0x91: {  	v4 =	vld.idx.msk [tilespmem:v8+s5+$0x0], $0xffff  }
0x92: {  	[tilespmem:s14+$0x9200] =	vst v3;
	v3 =	vld [tilespmem:s14+$0x300]  }
0x93: {  	v11 =	vld [tilespmem:s11+$0x180]  }
0x94: {  	v6 =	vld.idx.msk [tilespmem:v6+s5+$0x0], $0xffff  }
0x95: {  	v2 =	vld.idx.msk [tilespmem:v2+s5+$0x0], $0xffff  }
0x96: {  	v8 =	vld [tilespmem:s11+$0x80]  }
0x97: {  	v14 =	vld [tilespmem:s11+$0x280];
	[tilespmem:s18+$0x9200] =	vst v4  }
0x98: {  	v12 =	vld.idx.msk [tilespmem:v12+s5+$0x0], $0xffff  }
0x99: {  	s1 =	sand.u32 $0x780, s1;
	v5 =	vld.idx.msk [tilespmem:v5+s5+$0x0], $0xffff;
	[tilespmem:s14+$0x9280] =	vst v6  }
0x9a: {  	s15 =	sor.u32 s1, s10;
	s10 =	simm.s32 $0x2;
	v3 =	vld.idx.msk [tilespmem:v3+s5+$0x0], $0xffff;
	[tilespmem:s24+$0x9080] =	vst v2  }
0x9b: {  	s1 =	sand.u32 $0x3, s10;
	v2 =	vld [tilespmem:s15+$0x8080]  }
0x9c: {  	s1 =	sshll.u32 s1, $0x5;
	v0 =	vld.idx.msk [tilespmem:v0+s5+$0x0], $0xffff  }
0x9d: {  	s10 =	sadd.s32 $0x200, s1;
	v6 =	vld [tilespmem:s11+$0x200]  }
0x9e: {  	s1 =	sadd.s32 $0x10, s10;
	v8 =	vld.idx.msk [tilespmem:v8+s5+$0x0], $0xffff;
	[tilespmem:s3+$0x9080] =	vst v5  }
0x9f: {  	s13 =	sor.u32 $0x300, s1;
	v5 =	vld [tilespmem:s3+$0x180];
	[tilespmem:s14+$0x9300] =	vst v3  }
0xa0: {  	v3 =	vld [tilespmem:s13+$0x80]  }
0xa1: {  	v13 =	vld.idx.msk [tilespmem:v53+s5+$0x0], $0xffff  }
0xa2: {  	[tilespmem:s26+$0x9080] =	vst v0;
	v0 =	vld.idx.msk [tilespmem:v9+s5+$0x0], $0xffff  }
0xa3: {  	[tilespmem:s11+$0x9080] =	vst v8;
	v4 =	vld.idx.msk [tilespmem:v2+s5+$0x0], $0xffff  }
0xa4: {  	v2 =	vld.idx.msk [tilespmem:v10+s5+$0x0], $0xffff  }
0xa5: {  	v10 =	vld [tilespmem:s3+$0x200]  }
0xa6: {  	v8 =	vld [tilespmem:s11+$0x300];
	[tilespmem:s3+$0x9100] =	vst v13  }
0xa7: {  	v5 =	vld.idx.msk [tilespmem:v5+s5+$0x0], $0xffff  }
0xa8: {  	[tilespmem:s18+$0x9280] =	vst v12;
	v3 =	vld.idx.msk [tilespmem:v3+s5+$0x0], $0xffff  }
0xa9: {  	s21 =	sor.u32 $0x380, s21;
	[tilespmem:s11+$0x9100] =	vst v2;
	v2 =	vld.idx.msk [tilespmem:v7+s5+$0x0], $0xffff  }
0xaa: {  	v9 =	vld [tilespmem:s21+$0x80]  }
0xab: {  	v7 =	vld.idx.msk [tilespmem:v11+s5+$0x0], $0xffff  }
0xac: {  	[tilespmem:s3+$0x9180] =	vst v5;
	v11 =	vld [tilespmem:s3+$0x280]  }
0xad: {  	s16 =	sor.u32 $0x380, s1;
	v5 =	vld.idx.msk [tilespmem:v10+s5+$0x0], $0xffff;
	[tilespmem:s13+$0x9080] =	vst v3  }
0xae: {  	s28 =	sor.u32 $0x300, s10;
	s1 =	simm.s32 $0x80;
	v3 =	vld [tilespmem:s16+$0x80];
	[tilespmem:s18+$0x9300] =	vst v2  }
0xaf: {  	s29 =	simm.s32 $0x8080;
	s17 =	sand.u32 $0x60, s1;
	[tilespmem:s23+$0x9080] =	vst v0;
	s18 =	simm.s32 $0x400;
	v2 =	vld [tilespmem:s28+$0x80]  }
0xb0: {  	[tilespmem:s11+$0x9180] =	vst v7;
	s4 =	sand.u32 $0x3C00, s18;
	s18 =	sor.u32 $0x10, s17;
	v7 =	vld [tilespmem:s29+$0x0]  }
0xb1: {  	v6 =	vld.idx.msk [tilespmem:v6+s5+$0x0], $0xffff;
	s14 =	sor.u32 s18, s4  }
0xb2: {  	v0 =	vld [tilespmem:s14+$0x80]  }
0xb3: {  	s23 =	sor.u32 s17, s4;
	[tilespmem:s3+$0x9200] =	vst v5;
	v5 =	vld [tilespmem:s3+$0x300]  }
0xb4: {  	v54 =	vld [tilespmem:s23+$0x100]  }
0xb5: {  	v55 =	vld [tilespmem:s23+$0x180]  }
0xb6: {  	v15 =	vld [tilespmem:s14+$0x100]  }
0xb7: {  	v16 =	vld [tilespmem:s23+$0x280]  }
0xb8: {  	v56 =	vld [tilespmem:s23+$0x300]  }
0xb9: {  	v10 =	vld.idx.msk [tilespmem:v11+s5+$0x0], $0xffff  }
0xba: {  	v57 =	vld [tilespmem:s14+$0x200]  }
0xbb: {  	v11 =	vld [tilespmem:s23+$0x80]  }
0xbc: {  	[tilespmem:s11+$0x9200] =	vst v6;
	v3 =	vld.idx.msk [tilespmem:v3+s5+$0x0], $0xffff  }
0xbd: {  	v6 =	vld.idx.msk [tilespmem:v14+s5+$0x0], $0xffff  }
0xbe: {  	[tilespmem:s3+$0x9280] =	vst v10;
	v10 =	vld [tilespmem:s23+$0x200]  }
0xbf: {  	v2 =	vld.idx.msk [tilespmem:v2+s5+$0x0], $0xffff  }
0xc0: {  	v7 =	vld.idx.msk [tilespmem:v7+s5+$0x0], $0xffff  }
0xc1: {  	v0 =	vld.idx.msk [tilespmem:v0+s5+$0x0], $0xffff  }
0xc2: {  	s8 =	sand.u32 $0x780, s8;
	v5 =	vld.idx.msk [tilespmem:v5+s5+$0x0], $0xffff  }
0xc3: {  	s26 =	sor.u32 s8, s9;
	s13 =	simm.s32 $0x3;
	v11 =	vld.idx.msk [tilespmem:v11+s5+$0x0], $0xffff;
	[tilespmem:s16+$0x9080] =	vst v3  }
0xc4: {  	s8 =	sand.u32 $0x3, s13;
	v3 =	vld [tilespmem:s26+$0x8080]  }
0xc5: {  	s8 =	sshll.u32 s8, $0x5;
	[tilespmem:s28+$0x9080] =	vst v2;
	v2 =	vld.idx.msk [tilespmem:v9+s5+$0x0], $0xffff  }
0xc6: {  	s31 =	simm.s32 $0x500;
	s29 =	simm.s32 $0xA0;
	s24 =	sadd.s32 $0x300, s8;
	v9 =	vld [tilespmem:s14+$0x280]  }
0xc7: {  	s9 =	sor.u32 $0x380, s10;
	s4 =	sand.u32 $0x60, s29;
	s8 =	sadd.s32 $0x10, s24;
	[tilespmem:s14+$0x9080] =	vst v0;
	v0 =	vld [tilespmem:s14+$0x180]  }
0xc8: {  	s17 =	sand.u32 $0x3C00, s31;
	s10 =	sor.u32 $0x10, s4;
	s16 =	sor.u32 $0x300, s8;
	[tilespmem:s3+$0x9300] =	vst v5;
	v15 =	vld.idx.msk [tilespmem:v15+s5+$0x0], $0xffff  }
0xc9: {  	s28 =	sor.u32 $0x380, s8;
	s8 =	sor.u32 s10, s17;
	v5 =	vld [tilespmem:s16+$0x80]  }
0xca: {  	v17 =	vld [tilespmem:s8+$0x100]  }
0xcb: {  	[tilespmem:s15+$0x11080] =	vst v4;
	v62 =	vld [tilespmem:s8+$0x180]  }
0xcc: {  	s15 =	simm.s32 $0x11080;
	[tilespmem:s23+$0x9080] =	vst v11;
	v11 =	vld.idx.msk [tilespmem:v3+s5+$0x0], $0xffff  }
0xcd: {  	[tilespmem:s15+$0x0] =	vst v7;
	v3 =	vld.idx.msk [tilespmem:v54+s5+$0x0], $0xffff  }
0xce: {  	v7 =	vld [tilespmem:s8+$0x280];
	[tilespmem:s14+$0x9100] =	vst v15  }
0xcf: {  	v0 =	vld.idx.msk [tilespmem:v0+s5+$0x0], $0xffff  }
0xd0: {  	[tilespmem:s21+$0x9080] =	vst v2;
	v2 =	vld [tilespmem:s8+$0x80]  }
0xd1: {  	[tilespmem:s11+$0x9280] =	vst v6;
	v5 =	vld.idx.msk [tilespmem:v5+s5+$0x0], $0xffff  }
0xd2: {  	s21 =	sor.u32 s4, s17;
	[tilespmem:s23+$0x9100] =	vst v3;
	v3 =	vld.idx.msk [tilespmem:v8+s5+$0x0], $0xffff  }
0xd3: {  	v59 =	vld [tilespmem:s21+$0x80]  }
0xd4: {  	v60 =	vld [tilespmem:s21+$0x100];
	[tilespmem:s14+$0x9180] =	vst v0  }
0xd5: {  	v58 =	vld.idx.msk [tilespmem:v57+s5+$0x0], $0xffff  }
0xd6: {  	v61 =	vld [tilespmem:s21+$0x180];
	[tilespmem:s16+$0x9080] =	vst v5  }
0xd7: {  	[tilespmem:s11+$0x9300] =	vst v3;
	v3 =	vld [tilespmem:s28+$0x80]  }
0xd8: {  	v6 =	vld.idx.msk [tilespmem:v55+s5+$0x0], $0xffff  }
0xd9: {  	v5 =	vld [tilespmem:s14+$0x300]  }
0xda: {  	v8 =	vld [tilespmem:s9+$0x80];
	[tilespmem:s14+$0x9200] =	vst v58  }
0xdb: {  	v9 =	vld.idx.msk [tilespmem:v9+s5+$0x0], $0xffff  }
0xdc: {  	v18 =	vld.idx.msk [tilespmem:v2+s5+$0x0], $0xffff  }
0xdd: {  	v13 =	vld.idx.msk [tilespmem:v59+s5+$0x0], $0xffff;
	[tilespmem:s23+$0x9180] =	vst v6  }
0xde: {  	v10 =	vld.idx.msk [tilespmem:v10+s5+$0x0], $0xffff  }
0xdf: {  	v3 =	vld.idx.msk [tilespmem:v3+s5+$0x0], $0xffff  }
0xe0: {  	s13 =	sand.u32 $0x780, s19;
	v2 =	vld [tilespmem:s21+$0x280];
	[tilespmem:s14+$0x9280] =	vst v9  }
0xe1: {  	s3 =	sor.u32 $0x300, s24;
	s4 =	sor.u32 s13, s20;
	s20 =	simm.s32 $0x4;
	v9 =	vld.idx.msk [tilespmem:v5+s5+$0x0], $0xffff  }
0xe2: {  	s16 =	sand.u32 $0x3, s20;
	s11 =	simm.s32 $0x80A0;
	v6 =	vld [tilespmem:s3+$0x80];
	[tilespmem:s21+$0x9080] =	vst v13  }
0xe3: {  	s19 =	sshll.u32 s16, $0x5;
	v0 =	vld [tilespmem:s11+$0x0];
	[tilespmem:s23+$0x9200] =	vst v10  }
0xe4: {  	v14 =	vld.idx.msk [tilespmem:v60+s5+$0x0], $0xffff;
	[tilespmem:s28+$0x9080] =	vst v3;
	s28 =	sadd.s32 $0x400, s19  }
0xe5: {  	v16 =	vld.idx.msk [tilespmem:v16+s5+$0x0], $0xffff;
	s13 =	sadd.s32 $0x10, s28  }
0xe6: {  	v3 =	vld [tilespmem:s4+$0x8080];
	[tilespmem:s14+$0x9300] =	vst v9;
	s17 =	sor.u32 $0x300, s13  }
0xe7: {  	[tilespmem:s8+$0x9080] =	vst v18;
	v10 =	vld [tilespmem:s17+$0x80]  }
0xe8: {  	v9 =	vld.idx.msk [tilespmem:v17+s5+$0x0], $0xffff  }
0xe9: {  	v4 =	vld.idx.msk [tilespmem:v8+s5+$0x0], $0xffff  }
0xea: {  	[tilespmem:s0+$0x11080] =	vst v1;
	v1 =	vld.idx.msk [tilespmem:v6+s5+$0x0], $0xffff  }
0xeb: {  	v6 =	vld [tilespmem:s8+$0x200]  }
0xec: {  	v5 =	vld [tilespmem:s21+$0x200];
	[tilespmem:s23+$0x9280] =	vst v16  }
0xed: {  	v12 =	vld.idx.msk [tilespmem:v56+s5+$0x0], $0xffff;
	[tilespmem:s8+$0x9100] =	vst v9  }
0xee: {  	[tilespmem:s26+$0x11080] =	vst v11;
	v11 =	vld.idx.msk [tilespmem:v62+s5+$0x0], $0xffff  }
0xef: {  	v10 =	vld.idx.msk [tilespmem:v10+s5+$0x0], $0xffff  }
0xf0: {  	[tilespmem:s21+$0x9100] =	vst v14;
	v63 =	vld.idx.msk [tilespmem:v3+s5+$0x0], $0xffff  }
0xf1: {  	s19 =	sor.u32 $0x380, s24;
	[tilespmem:s3+$0x9080] =	vst v1;
	v9 =	vld.idx.msk [tilespmem:v61+s5+$0x0], $0xffff  }
0xf2: {  	v1 =	vld [tilespmem:s19+$0x80];
	[tilespmem:s23+$0x9300] =	vst v12  }
0xf3: {  	v3 =	vld [tilespmem:s21+$0x300];
	[tilespmem:s8+$0x9180] =	vst v11  }
0xf4: {  	s0 =	sshll.u32 s2, $0xC;
	s26 =	simm.s32 $0x500;
	s14 =	sor.u32 $0x380, s13;
	v8 =	vld.idx.msk [tilespmem:v6+s5+$0x0], $0xffff;
	[tilespmem:s17+$0x9080] =	vst v10  }
0xf5: {  	s24 =	sor.u32 $0x300, s28;
	s28 =	sor.u32 $0x380, s28;
	s23 =	simm.s32 $0xA0;
	[tilespmem:s4+$0x11080] =	vst v63;
	v6 =	vld [tilespmem:s14+$0x80]  }
.LBB2_3:
0xf6: {  	s29 =	sadd.s32 $0x20, s29;
	[tilespmem:s21+$0x9180] =	vst v9;
	v9 =	vld [tilespmem:s24+$0x80]  }
0xf7: {  	s31 =	sadd.s32 $0x100, s31;
	s11 =	sadd.s32 $0x20, s11;
	s3 =	sand.u32 $0x60, s29;
	v5 =	vld.idx.msk [tilespmem:v5+s5+$0x0], $0xffff;
	[tilespmem:s9+$0x9080] =	vst v4  }
0xf8: {  	s4 =	sand.u32 $0x3C00, s31;
	p0 =	slt.u32 s29, $0x7E0;
	s13 =	sor.u32 $0x10, s3;
	v4 =	vld [tilespmem:s11+$0x0]  }
0xf9: {  	s9 =	smov.u32 s19;
	s3 =	sor.u32 s3, s4;
	s4 =	sor.u32 s13, s4;
	v10 =	vld.idx.msk [tilespmem:v0+s5+$0x0], $0xffff  }
0xfa: {  	s19 =	smov.u32 s28;
	v11 =	vld [tilespmem:s4+$0x80]  }
0xfb: {  	[tilespmem:s8+$0x9200] =	vst v8;
	v8 =	vld [tilespmem:s8+$0x300]  }
0xfc: {  	v7 =	vld.idx.msk [tilespmem:v7+s5+$0x0], $0xffff  }
0xfd: {  	[tilespmem:s21+$0x9200] =	vst v5;
	v5 =	vld.idx.msk [tilespmem:v6+s5+$0x0], $0xffff;
	v0 =	vmov v4  }
0xfe: {  	s15 =	sadd.s32 $0x20, s15;
	v4 =	vld [tilespmem:s3+$0x80]  }
0xff: {  	v6 =	vld [tilespmem:s3+$0x100];
	[tilespmem:s15+$0x0] =	vst v10  }
0x100: {  	v10 =	vld [tilespmem:s3+$0x180]  }
0x101: {  	v12 =	vld [tilespmem:s4+$0x100]  }
0x102: {  	s28 =	sand.u32 $0x780, s1;
	s1 =	smov.u32 s23;
	s23 =	smov.u32 s29;
	v11 =	vld.idx.msk [tilespmem:v11+s5+$0x0], $0xffff;
	[tilespmem:s8+$0x9280] =	vst v7  }
0x103: {  	v7 =	vld.idx.msk [tilespmem:v8+s5+$0x0], $0xffff;
	[tilespmem:s14+$0x9080] =	vst v5;
	s14 =	sor.u32 s28, s18;
	s18 =	smov.u32 s10;
	s10 =	smov.u32 s13  }
0x104: {  	s20 =	sadd.s32 $0x1, s20;
	v8 =	vld [tilespmem:s14+$0x8080]  }
0x105: {  	s13 =	sand.u32 $0x3, s20;
	v5 =	vld [tilespmem:s3+$0x200]  }
0x106: {  	s13 =	sshll.u32 s13, $0x5;
	v4 =	vld.idx.msk [tilespmem:v4+s5+$0x0], $0xffff  }
0x107: {  	s13 =	sadd.s32 s13, s26;
	s26 =	smov.u32 s31;
	v13 =	vld [tilespmem:s3+$0x280]  }
0x108: {  	s17 =	sor.u32 $0x300, s13;
	s28 =	sor.u32 $0x380, s13;
	s13 =	sadd.s32 $0x10, s13;
	[tilespmem:s4+$0x9080] =	vst v11;
	v11 =	vld [tilespmem:s4+$0x180]  }
0x109: {  	s16 =	sor.u32 $0x300, s13;
	v12 =	vld.idx.msk [tilespmem:v12+s5+$0x0], $0xffff;
	[tilespmem:s8+$0x9300] =	vst v7;
	s8 =	smov.u32 s4  }
0x10a: {  	v7 =	vld [tilespmem:s16+$0x80]  }
0x10b: {  	v14 =	vld.idx.msk [tilespmem:v2+s5+$0x0], $0xffff  }
0x10c: {  	[tilespmem:s3+$0x9080] =	vst v4;
	v4 =	vld.idx.msk [tilespmem:v8+s5+$0x0], $0xffff;
	v2 =	vmov v13  }
0x10d: {  	v6 =	vld.idx.msk [tilespmem:v6+s5+$0x0], $0xffff  }
0x10e: {  	v8 =	vld [tilespmem:s3+$0x300]  }
0x10f: {  	v13 =	vld.idx.msk [tilespmem:v9+s5+$0x0], $0xffff  }
0x110: {  	[tilespmem:s8+$0x9100] =	vst v12;
	v12 =	vld [tilespmem:s8+$0x200]  }
0x111: {  	v11 =	vld.idx.msk [tilespmem:v11+s5+$0x0], $0xffff;
	[tilespmem:s21+$0x9280] =	vst v14  }
0x112: {  	v14 =	vld.idx.msk [tilespmem:v7+s5+$0x0], $0xffff;
	[tilespmem:s14+$0x11080] =	vst v4  }
0x113: {  	[tilespmem:s3+$0x9100] =	vst v6;
	v6 =	vld.idx.msk [tilespmem:v3+s5+$0x0], $0xffff;
	v3 =	vmov v8  }
0x114: {  	v9 =	vld.idx.msk [tilespmem:v10+s5+$0x0], $0xffff  }
.Ltmp2:
0x115: {  	[tilespmem:s24+$0x9080] =	vst v13;
	v4 =	vld.idx.msk [tilespmem:v1+s5+$0x0], $0xffff;
	s24 =	smov.u32 s17;
	(pc) =	sbr.rel @p0 .LBB2_3-.Ltmp2, $4  }
0x116: {  	v1 =	vld [tilespmem:s19+$0x80]  }
0x117: {  	[tilespmem:s8+$0x9180] =	vst v11;
	v7 =	vld [tilespmem:s8+$0x280]  }
0x118: {  	s14 =	sor.u32 $0x380, s13;
	v8 =	vld.idx.msk [tilespmem:v12+s5+$0x0], $0xffff;
	[tilespmem:s16+$0x9080] =	vst v14  }
0x119: {  	[tilespmem:s21+$0x9300] =	vst v6;
	v6 =	vld [tilespmem:s14+$0x80];
	s21 =	smov.u32 s3  }
0x11a: {  	_ =	sdelay $0x2  }
0x11b: {  	[tilespmem:s21+$0x9180] =	vst v9  }
0x11c: {  	v5 =	vld.idx.msk [tilespmem:v5+s5+$0x0], $0xffff  }
0x11d: {  	[tilespmem:s8+$0x9200] =	vst v8;
	v8 =	vld [tilespmem:s8+$0x300];
	_ =	sdelay $0x1  }
0x11e: {  	v7 =	vld.idx.msk [tilespmem:v7+s5+$0x0], $0xffff;
	_ =	sdelay $0x1  }
0x11f: {  	[tilespmem:s21+$0x9200] =	vst v5  }
0x120: {  	v2 =	vld.idx.msk [tilespmem:v2+s5+$0x0], $0xffff;
	_ =	sdelay $0x1  }
0x121: {  	[tilespmem:s8+$0x9280] =	vst v7  }
0x122: {  	s3 =	sadd.s32 $0x1, s20;
	v5 =	vld.idx.msk [tilespmem:v8+s5+$0x0], $0xffff  }
0x123: {  	s3 =	sand.u32 $0x3, s3  }
0x124: {  	s3 =	sshll.u32 s3, $0x5;
	[tilespmem:s21+$0x9280] =	vst v2  }
0x125: {  	s3 =	sadd.s32 s3, s26;
	v2 =	vld.idx.msk [tilespmem:v3+s5+$0x0], $0xffff  }
0x126: {  	s4 =	sadd.s32 $0x10, s3  }
0x127: {  	s17 =	sor.u32 $0x300, s4;
	[tilespmem:s8+$0x9300] =	vst v5  }
0x128: {  	v3 =	vld [tilespmem:s17+$0x80];
	_ =	sdelay $0x1  }
0x129: {  	s13 =	sor.u32 $0x300, s3;
	v5 =	vld [tilespmem:s24+$0x80];
	[tilespmem:s21+$0x9300] =	vst v2  }
0x12a: {  	v2 =	vld [tilespmem:s13+$0x80];
	_ =	sdelay $0x4  }
0x12b: {  	v3 =	vld.idx.msk [tilespmem:v3+s5+$0x0], $0xffff;
	_ =	sdelay $0x1  }
0x12c: {  	v5 =	vld.idx.msk [tilespmem:v5+s5+$0x0], $0xffff  }
0x12d: {  	v2 =	vld.idx.msk [tilespmem:v2+s5+$0x0], $0xffff;
	_ =	sdelay $0x1  }
0x12e: {  	s4 =	sor.u32 $0x380, s4;
	[tilespmem:s17+$0x9080] =	vst v3  }
0x12f: {  	v3 =	vld [tilespmem:s4+$0x80]  }
0x130: {  	[tilespmem:s24+$0x9080] =	vst v5  }
0x131: {  	s3 =	sor.u32 $0x380, s3;
	[tilespmem:s13+$0x9080] =	vst v2;
	v2 =	vld [tilespmem:s28+$0x80]  }
0x132: {  	v5 =	vld [tilespmem:s3+$0x80];
	_ =	sdelay $0x2  }
0x133: {  	v6 =	vld.idx.msk [tilespmem:v6+s5+$0x0], $0xffff;
	_ =	sdelay $0x1  }
0x134: {  	v3 =	vld.idx.msk [tilespmem:v3+s5+$0x0], $0xffff  }
0x135: {  	v1 =	vld.idx.msk [tilespmem:v1+s5+$0x0], $0xffff  }
0x136: {  	s1 =	sand.u32 $0x780, s1;
	v2 =	vld.idx.msk [tilespmem:v2+s5+$0x0], $0xffff  }
0x137: {  	s1 =	sor.u32 s1, s18;
	[tilespmem:s14+$0x9080] =	vst v6;
	v5 =	vld.idx.msk [tilespmem:v5+s5+$0x0], $0xffff  }
0x138: {  	[tilespmem:s9+$0x9080] =	vst v4;
	s20 =	sadd.s32 $0x20, s11;
	v4 =	vld [tilespmem:s1+$0x8080];
	s21 =	sand.u32 $0x780, s23  }
0x139: {  	s23 =	sor.u32 s21, s10;
	[tilespmem:s4+$0x9080] =	vst v3;
	v3 =	vld [tilespmem:s20+$0x0]  }
0x13a: {  	[tilespmem:s19+$0x9080] =	vst v1;
	s8 =	sadd.s32 $0x20, s20;
	v1 =	vld [tilespmem:s23+$0x8080]  }
0x13b: {  	[tilespmem:s28+$0x9080] =	vst v2;
	v2 =	vld [tilespmem:s8+$0x0];
	s8 =	sadd.s32 $0x20, s8  }
0x13c: {  	[tilespmem:s3+$0x9080] =	vst v5;
	v5 =	vld [tilespmem:s8+$0x0];
	s24 =	sadd.s32 $0x20, s8  }
0x13d: {  	v6 =	vld [tilespmem:s24+$0x0];
	_ =	sdelay $0x1  }
0x13e: {  	v0 =	vld.idx.msk [tilespmem:v0+s5+$0x0], $0xffff  }
0x13f: {  	v4 =	vld.idx.msk [tilespmem:v4+s5+$0x0], $0xffff  }
0x140: {  	v3 =	vld.idx.msk [tilespmem:v3+s5+$0x0], $0xffff  }
0x141: {  	v1 =	vld.idx.msk [tilespmem:v1+s5+$0x0], $0xffff  }
0x142: {  	s26 =	sadd.s32 $0x20, s15;
	v2 =	vld.idx.msk [tilespmem:v2+s5+$0x0], $0xffff  }
0x143: {  	[tilespmem:s26+$0x0] =	vst v0;
	v0 =	vld.idx.msk [tilespmem:v5+s5+$0x0], $0xffff  }
0x144: {  	[tilespmem:s1+$0x11080] =	vst v4;
	s3 =	sadd.s32 $0x20, s26;
	v4 =	vld.idx.msk [tilespmem:v6+s5+$0x0], $0xffff  }
0x145: {  	[tilespmem:s3+$0x0] =	vst v3  }
0x146: {  	s1 =	sadd.s32 $0x20, s3;
	[tilespmem:s23+$0x11080] =	vst v1  }
0x147: {  	s9 =	rddreg [dreg:$0x2];
	p0 =	seq.s32 s2, $0x2;
	[tilespmem:s1+$0x0] =	vst v2;
	s1 =	sadd.s32 $0x20, s1  }
0x148: {  	p1 =	seq.s32 @!p0 s2, $0x0;
	s8 =	sadd.s32 s6, s0;
	[tilespmem:s1+$0x0] =	vst v0;
	s1 =	sadd.s32 $0x20, s1  }
0x149: {  	s14 =	simm.s32 $0x11080;
	s10 =	simm.s32 $0x9080;
	[tilespmem:s1+$0x0] =	vst v4;
	s1 =	sadd.s32 s9, s8  }
0x14a: {  	[hbm4b:s1+s5] =	stream.linear.scatter [tilespmem:s10], [sflag:$0x3], $0x4000, $0x38;
	[tilespmem:$0x12080] =	vst v63  }
0x14b: {  	s13 =	simm.s32 $0x400;
	s1 =	smin.u32 @!p0 s0, $0x1480;
	s3 =	rddreg [dreg:$0x8]  }
0x14c: {  	s11 =	sadd.s32 s8, s12;
	s1 =	sadd.s32 @!p0 s1, s3;
	s3 =	rddreg [dreg:$0x1]  }
0x14d: {  	[hbm4b:s11+s7] =	stream.strided.scatter [tilespmem:s14], [sflag:$0x3], $0x800, s13, s7, $0x38;
	[tilespmem:$0x12080] =	vst v63  }
0x14e: {  	s4 =	simm.s32 @!p0 $0x0;
	s8 =	simm.s32 @!p0 $0x80;
	s3 =	sadd.s32 @!p0 s3, s1  }
0x14f: {  	[tilespmem:s8], [sflag:$0x1] =	stream.linear.gather @!p0 [hbm4b:s3+s4], $0x4000, $0x38;
	[tilespmem:$0x12080] =	vst v63  }
0x150: {  	p1 =	por p0, !p1;
	s3 =	rddreg [dreg:$0xb]  }
0x151: {  	s4 =	simm.s32 @!p0 $0x8080;
	s1 =	sadd.s32 @!p0 s1, s3;
	s3 =	simm.s32 @!p0 $0x400  }
0x152: {  	[tilespmem:s4], [sflag:$0x1] =	stream.strided.gather @!p0 [hbm4b:s1+s8], $0x800, s3, s8, $0x38;
	[tilespmem:$0x12080] =	vst v63  }
0x153: {  	_ =	swait.ge @p1 [sflag:s30], $0x4000  }
0x154: {  	[sflag:s30] =	ssyncset.done @p1 $0x0  }
0x155: {  	[sflag:s30] =	ssyncadd.s32 @p1 $0xFFFFC000  }
0x156: {  	_ =	swait.ge @p1 [sflag:s30], $0x800  }
0x157: {  	[sflag:s30] =	ssyncset.done @p1 $0x0  }
0x158: {  	[sflag:s30] =	ssyncadd.s32 @p1 $0xFFFFF800  }
0x159: {  	_ =	swait.ge [sflag:s25], $0x4000  }
0x15a: {  	[sflag:s25] =	ssyncset.done $0x0  }
0x15b: {  	s3 =	simm.s32 $0x0;
	[sflag:s25] =	ssyncadd.s32 $0xFFFFC000  }
0x15c: {  	s15 =	simm.s32 $0x0;
	s18 =	sand.u32 $0x60, s3;
	_ =	swait.ge [sflag:s25], $0x800  }
0x15d: {  	s19 =	sand.u32 $0x3C00, s15;
	s20 =	sor.u32 $0x10, s18;
	[sflag:s25] =	ssyncset.done $0x0  }
0x15e: {  	s24 =	sor.u32 s20, s19;
	[sflag:s25] =	ssyncadd.s32 $0xFFFFF800  }
0x15f: {  	v0 =	vld [tilespmem:s24+$0x4080];
	_ =	sdelay $0x5  }
0x160: {  	v1 =	vld [tilespmem:s24+$0x4100];
	_ =	sdelay $0x1  }
0x161: {  	v0 =	vld.idx.msk [tilespmem:v0+s5+$0x0], $0xffff;
	_ =	sdelay $0x3  }
0x162: {  	s26 =	sor.u32 s18, s19;
	v2 =	vld [tilespmem:s24+$0x4180]  }
0x163: {  	v3 =	vld [tilespmem:s26+$0x4080];
	[tilespmem:s24+$0xD080] =	vst v0  }
0x164: {  	v0 =	vld.idx.msk [tilespmem:v1+s5+$0x0], $0xffff;
	_ =	sdelay $0x3  }
0x165: {  	v1 =	vld [tilespmem:s24+$0x4200]  }
0x166: {  	v4 =	vld [tilespmem:s26+$0x4100];
	[tilespmem:s24+$0xD100] =	vst v0  }
0x167: {  	v0 =	vld.idx.msk [tilespmem:v2+s5+$0x0], $0xffff;
	_ =	sdelay $0x1  }
0x168: {  	v2 =	vld.idx.msk [tilespmem:v3+s5+$0x0], $0xffff;
	_ =	sdelay $0x1  }
0x169: {  	v3 =	vld [tilespmem:s24+$0x4280]  }
0x16a: {  	v5 =	vld [tilespmem:s26+$0x4180];
	[tilespmem:s24+$0xD180] =	vst v0  }
0x16b: {  	v0 =	vld.idx.msk [tilespmem:v1+s5+$0x0], $0xffff  }
0x16c: {  	[tilespmem:s26+$0xD080] =	vst v2  }
0x16d: {  	v1 =	vld.idx.msk [tilespmem:v4+s5+$0x0], $0xffff  }
0x16e: {  	s1 =	simm.s32 $0x20;
	v6 =	vld [tilespmem:s26+$0x4280]  }
0x16f: {  	s14 =	simm.s32 $0x100;
	s13 =	sand.u32 $0x60, s1;
	v2 =	vld [tilespmem:s24+$0x4300]  }
0x170: {  	s16 =	sand.u32 $0x3C00, s14;
	s8 =	sor.u32 $0x10, s13;
	v4 =	vld [tilespmem:s26+$0x4200];
	[tilespmem:s24+$0xD200] =	vst v0  }
0x171: {  	s17 =	sor.u32 s8, s16;
	v0 =	vld.idx.msk [tilespmem:v3+s5+$0x0], $0xffff  }
0x172: {  	[tilespmem:s26+$0xD100] =	vst v1;
	v1 =	vld [tilespmem:s17+$0x4080]  }
0x173: {  	s11 =	sor.u32 s13, s16;
	v3 =	vld.idx.msk [tilespmem:v5+s5+$0x0], $0xffff  }
0x174: {  	v5 =	vld [tilespmem:s11+$0x4080]  }
0x175: {  	v7 =	vld [tilespmem:s26+$0x4300]  }
0x176: {  	v8 =	vld [tilespmem:s17+$0x4180];
	[tilespmem:s24+$0xD280] =	vst v0  }
0x177: {  	v0 =	vld.idx.msk [tilespmem:v2+s5+$0x0], $0xffff  }
0x178: {  	s4 =	sand.u32 $0x3, s15;
	[tilespmem:s26+$0xD180] =	vst v3;
	v2 =	vld [tilespmem:s17+$0x4100]  }
0x179: {  	s4 =	sshll.u32 s4, $0x5;
	v3 =	vld.idx.msk [tilespmem:v4+s5+$0x0], $0xffff  }
0x17a: {  	s19 =	sadd.s32 $0x0, s4;
	v1 =	vld.idx.msk [tilespmem:v1+s5+$0x0], $0xffff  }
0x17b: {  	s4 =	sadd.s32 $0x10, s19;
	v4 =	vld [tilespmem:s11+$0x4100]  }
0x17c: {  	s18 =	sor.u32 $0x300, s4;
	v5 =	vld.idx.msk [tilespmem:v5+s5+$0x0], $0xffff;
	[tilespmem:s24+$0xD300] =	vst v0  }
0x17d: {  	v0 =	vld [tilespmem:s18+$0x4080]  }
0x17e: {  	v9 =	vld [tilespmem:s11+$0x4180];
	[tilespmem:s26+$0xD200] =	vst v3  }
0x17f: {  	[tilespmem:s17+$0xD080] =	vst v1;
	v3 =	vld.idx.msk [tilespmem:v6+s5+$0x0], $0xffff  }
0x180: {  	v1 =	vld.idx.msk [tilespmem:v2+s5+$0x0], $0xffff  }
0x181: {  	v6 =	vld [tilespmem:s11+$0x4280]  }
0x182: {  	[tilespmem:s11+$0xD080] =	vst v5;
	v5 =	vld [tilespmem:s17+$0x4200]  }
0x183: {  	s9 =	simm.s32 $0x40;
	v2 =	vld [tilespmem:s11+$0x4200]  }
0x184: {  	s21 =	sand.u32 $0x60, s9;
	s24 =	simm.s32 $0x200;
	v4 =	vld.idx.msk [tilespmem:v4+s5+$0x0], $0xffff  }
0x185: {  	s10 =	sor.u32 $0x10, s21;
	s16 =	sand.u32 $0x3C00, s24;
	[tilespmem:s17+$0xD100] =	vst v1;
	v0 =	vld.idx.msk [tilespmem:v0+s5+$0x0], $0xffff  }
0x186: {  	s14 =	sor.u32 s10, s16;
	v1 =	vld.idx.msk [tilespmem:v8+s5+$0x0], $0xffff  }
0x187: {  	v11 =	vld [tilespmem:s14+$0x4100];
	[tilespmem:s26+$0xD280] =	vst v3  }
0x188: {  	v3 =	vld.idx.msk [tilespmem:v7+s5+$0x0], $0xffff  }
0x189: {  	v7 =	vld [tilespmem:s17+$0x4280];
	[tilespmem:s11+$0xD100] =	vst v4  }
0x18a: {  	s4 =	sor.u32 $0x380, s4;
	v4 =	vld.idx.msk [tilespmem:v9+s5+$0x0], $0xffff;
	[tilespmem:s18+$0xD080] =	vst v0  }
0x18b: {  	[tilespmem:s17+$0xD180] =	vst v1;
	v0 =	vld [tilespmem:s4+$0x4080]  }
0x18c: {  	v1 =	vld.idx.msk [tilespmem:v5+s5+$0x0], $0xffff  }
0x18d: {  	s23 =	sor.u32 $0x300, s19;
	v8 =	vld [tilespmem:s14+$0x4080];
	[tilespmem:s26+$0xD300] =	vst v3  }
0x18e: {  	v3 =	vld [tilespmem:s23+$0x4080]  }
0x18f: {  	[tilespmem:s11+$0xD180] =	vst v4;
	v4 =	vld [tilespmem:s17+$0x4300]  }
0x190: {  	v5 =	vld [tilespmem:s11+$0x4300]  }
0x191: {  	v2 =	vld.idx.msk [tilespmem:v2+s5+$0x0], $0xffff;
	[tilespmem:s17+$0xD200] =	vst v1  }
0x192: {  	s18 =	sor.u32 s21, s16;
	v1 =	vld.idx.msk [tilespmem:v7+s5+$0x0], $0xffff  }
0x193: {  	v9 =	vld [tilespmem:s18+$0x4100]  }
0x194: {  	v0 =	vld.idx.msk [tilespmem:v0+s5+$0x0], $0xffff  }
0x195: {  	v7 =	vld [tilespmem:s18+$0x4080]  }
0x196: {  	v10 =	vld [tilespmem:s18+$0x4180]  }
0x197: {  	v12 =	vld [tilespmem:s18+$0x4280];
	[tilespmem:s17+$0xD280] =	vst v1  }
0x198: {  	s3 =	sand.u32 $0x780, s3;
	v1 =	vld.idx.msk [tilespmem:v4+s5+$0x0], $0xffff  }
0x199: {  	s15 =	sor.u32 s3, s20;
	s26 =	simm.s32 $0x1;
	v4 =	vld.idx.msk [tilespmem:v8+s5+$0x0], $0xffff;
	[tilespmem:s4+$0xD080] =	vst v0  }
0x19a: {  	s13 =	sand.u32 $0x3, s26;
	[tilespmem:s11+$0xD200] =	vst v2;
	v0 =	vld [tilespmem:s15+$0x8880]  }
0x19b: {  	s3 =	sshll.u32 s13, $0x5;
	v6 =	vld.idx.msk [tilespmem:v6+s5+$0x0], $0xffff  }
0x19c: {  	s21 =	sadd.s32 $0x100, s3;
	v3 =	vld.idx.msk [tilespmem:v3+s5+$0x0], $0xffff  }
0x19d: {  	s3 =	sadd.s32 $0x10, s21;
	v7 =	vld.idx.msk [tilespmem:v7+s5+$0x0], $0xffff;
	[tilespmem:s17+$0xD300] =	vst v1  }
0x19e: {  	s16 =	sor.u32 $0x300, s3;
	[tilespmem:s14+$0xD080] =	vst v4;
	v4 =	vld [tilespmem:s14+$0x4180]  }
0x19f: {  	v13 =	vld [tilespmem:s16+$0x4080]  }
0x1a0: {  	v2 =	vld.idx.msk [tilespmem:v11+s5+$0x0], $0xffff  }
0x1a1: {  	[tilespmem:s11+$0xD280] =	vst v6;
	v6 =	vld [tilespmem:s14+$0x4280]  }
0x1a2: {  	[tilespmem:s18+$0xD080] =	vst v7;
	v1 =	vld.idx.msk [tilespmem:v0+s5+$0x0], $0xffff  }
0x1a3: {  	s20 =	simm.s32 $0x60;
	v0 =	vld.idx.msk [tilespmem:v9+s5+$0x0], $0xffff  }
0x1a4: {  	s24 =	sor.u32 $0x380, s19;
	s19 =	sand.u32 $0x60, s20;
	[tilespmem:s23+$0xD080] =	vst v3;
	s23 =	simm.s32 $0x300;
	v9 =	vld [tilespmem:s14+$0x4200]  }
0x1a5: {  	v8 =	vld [tilespmem:s18+$0x4200];
	s26 =	sand.u32 $0x3C00, s23;
	s23 =	sor.u32 $0x10, s19;
	[tilespmem:s14+$0xD100] =	vst v2  }
0x1a6: {  	s17 =	sor.u32 $0x380, s3;
	s3 =	sor.u32 s23, s26;
	v4 =	vld.idx.msk [tilespmem:v4+s5+$0x0], $0xffff  }
0x1a7: {  	v53 =	vld [tilespmem:s3+$0x4100]  }
0x1a8: {  	v2 =	vld.idx.msk [tilespmem:v13+s5+$0x0], $0xffff  }
0x1a9: {  	[tilespmem:s18+$0xD100] =	vst v0;
	v0 =	vld.idx.msk [tilespmem:v5+s5+$0x0], $0xffff  }
0x1aa: {  	v7 =	vld [tilespmem:s18+$0x4300]  }
0x1ab: {  	v5 =	vld.idx.msk [tilespmem:v10+s5+$0x0], $0xffff;
	[tilespmem:s14+$0xD180] =	vst v4  }
0x1ac: {  	v3 =	vld.idx.msk [tilespmem:v9+s5+$0x0], $0xffff  }
0x1ad: {  	[tilespmem:s16+$0xD080] =	vst v2;
	v9 =	vld [tilespmem:s24+$0x4080]  }
0x1ae: {  	s13 =	sor.u32 $0x300, s21;
	v2 =	vld [tilespmem:s17+$0x4080];
	[tilespmem:s11+$0xD300] =	vst v0  }
0x1af: {  	v0 =	vld [tilespmem:s13+$0x4080]  }
0x1b0: {  	s11 =	sor.u32 s19, s26;
	[tilespmem:s18+$0xD180] =	vst v5;
	v5 =	vld [tilespmem:s3+$0x4080]  }
0x1b1: {  	v10 =	vld [tilespmem:s11+$0x4100]  }
0x1b2: {  	v4 =	vld.idx.msk [tilespmem:v8+s5+$0x0], $0xffff  }
0x1b3: {  	[tilespmem:s14+$0xD200] =	vst v3;
	v3 =	vld [tilespmem:s14+$0x4300]  }
0x1b4: {  	v11 =	vld [tilespmem:s11+$0x4180]  }
0x1b5: {  	v6 =	vld.idx.msk [tilespmem:v6+s5+$0x0], $0xffff  }
0x1b6: {  	v2 =	vld.idx.msk [tilespmem:v2+s5+$0x0], $0xffff  }
0x1b7: {  	v8 =	vld [tilespmem:s11+$0x4080]  }
0x1b8: {  	v14 =	vld [tilespmem:s11+$0x4280];
	[tilespmem:s18+$0xD200] =	vst v4  }
0x1b9: {  	v12 =	vld.idx.msk [tilespmem:v12+s5+$0x0], $0xffff  }
0x1ba: {  	s1 =	sand.u32 $0x780, s1;
	v5 =	vld.idx.msk [tilespmem:v5+s5+$0x0], $0xffff;
	[tilespmem:s14+$0xD280] =	vst v6  }
0x1bb: {  	s8 =	sor.u32 s1, s8;
	s16 =	simm.s32 $0x2;
	v3 =	vld.idx.msk [tilespmem:v3+s5+$0x0], $0xffff;
	[tilespmem:s17+$0xD080] =	vst v2  }
0x1bc: {  	s1 =	sand.u32 $0x3, s16;
	v2 =	vld [tilespmem:s8+$0x8880]  }
0x1bd: {  	s1 =	sshll.u32 s1, $0x5;
	v0 =	vld.idx.msk [tilespmem:v0+s5+$0x0], $0xffff  }
0x1be: {  	s19 =	sadd.s32 $0x200, s1;
	v6 =	vld [tilespmem:s11+$0x4200]  }
0x1bf: {  	s1 =	sadd.s32 $0x10, s19;
	v8 =	vld.idx.msk [tilespmem:v8+s5+$0x0], $0xffff;
	[tilespmem:s3+$0xD080] =	vst v5  }
0x1c0: {  	s17 =	sor.u32 $0x300, s1;
	v5 =	vld [tilespmem:s3+$0x4180];
	[tilespmem:s14+$0xD300] =	vst v3  }
0x1c1: {  	v3 =	vld [tilespmem:s17+$0x4080]  }
0x1c2: {  	v13 =	vld.idx.msk [tilespmem:v53+s5+$0x0], $0xffff  }
0x1c3: {  	[tilespmem:s13+$0xD080] =	vst v0;
	v0 =	vld.idx.msk [tilespmem:v9+s5+$0x0], $0xffff  }
0x1c4: {  	[tilespmem:s11+$0xD080] =	vst v8;
	v4 =	vld.idx.msk [tilespmem:v2+s5+$0x0], $0xffff  }
0x1c5: {  	v2 =	vld.idx.msk [tilespmem:v10+s5+$0x0], $0xffff  }
0x1c6: {  	v10 =	vld [tilespmem:s3+$0x4200]  }
0x1c7: {  	v8 =	vld [tilespmem:s11+$0x4300];
	[tilespmem:s3+$0xD100] =	vst v13  }
0x1c8: {  	v5 =	vld.idx.msk [tilespmem:v5+s5+$0x0], $0xffff  }
0x1c9: {  	[tilespmem:s18+$0xD280] =	vst v12;
	v3 =	vld.idx.msk [tilespmem:v3+s5+$0x0], $0xffff  }
0x1ca: {  	s21 =	sor.u32 $0x380, s21;
	[tilespmem:s11+$0xD100] =	vst v2;
	v2 =	vld.idx.msk [tilespmem:v7+s5+$0x0], $0xffff  }
0x1cb: {  	v9 =	vld [tilespmem:s21+$0x4080]  }
0x1cc: {  	v7 =	vld.idx.msk [tilespmem:v11+s5+$0x0], $0xffff  }
0x1cd: {  	[tilespmem:s3+$0xD180] =	vst v5;
	v11 =	vld [tilespmem:s3+$0x4280]  }
0x1ce: {  	s4 =	sor.u32 $0x380, s1;
	v5 =	vld.idx.msk [tilespmem:v10+s5+$0x0], $0xffff;
	[tilespmem:s17+$0xD080] =	vst v3  }
0x1cf: {  	s1 =	simm.s32 $0x80;
	s13 =	sor.u32 $0x300, s19;
	v3 =	vld [tilespmem:s4+$0x4080];
	[tilespmem:s18+$0xD300] =	vst v2  }
0x1d0: {  	s16 =	sand.u32 $0x60, s1;
	[tilespmem:s24+$0xD080] =	vst v0;
	s17 =	simm.s32 $0x8880;
	s18 =	simm.s32 $0x400;
	v2 =	vld [tilespmem:s13+$0x4080]  }
0x1d1: {  	[tilespmem:s11+$0xD180] =	vst v7;
	s26 =	sand.u32 $0x3C00, s18;
	s18 =	sor.u32 $0x10, s16;
	v7 =	vld [tilespmem:s17+$0x0]  }
0x1d2: {  	v6 =	vld.idx.msk [tilespmem:v6+s5+$0x0], $0xffff;
	s14 =	sor.u32 s18, s26  }
0x1d3: {  	v0 =	vld [tilespmem:s14+$0x4080]  }
0x1d4: {  	s26 =	sor.u32 s16, s26;
	[tilespmem:s3+$0xD200] =	vst v5;
	v5 =	vld [tilespmem:s3+$0x4300]  }
0x1d5: {  	v54 =	vld [tilespmem:s26+$0x4100]  }
0x1d6: {  	v55 =	vld [tilespmem:s26+$0x4180]  }
0x1d7: {  	v15 =	vld [tilespmem:s14+$0x4100]  }
0x1d8: {  	v16 =	vld [tilespmem:s26+$0x4280]  }
0x1d9: {  	v56 =	vld [tilespmem:s26+$0x4300]  }
0x1da: {  	v10 =	vld.idx.msk [tilespmem:v11+s5+$0x0], $0xffff  }
0x1db: {  	v57 =	vld [tilespmem:s14+$0x4200]  }
0x1dc: {  	v3 =	vld.idx.msk [tilespmem:v3+s5+$0x0], $0xffff  }
0x1dd: {  	v11 =	vld [tilespmem:s26+$0x4080];
	[tilespmem:s11+$0xD200] =	vst v6  }
0x1de: {  	v6 =	vld.idx.msk [tilespmem:v14+s5+$0x0], $0xffff  }
0x1df: {  	[tilespmem:s3+$0xD280] =	vst v10;
	v10 =	vld [tilespmem:s26+$0x4200]  }
0x1e0: {  	s9 =	sand.u32 $0x780, s9;
	v0 =	vld.idx.msk [tilespmem:v0+s5+$0x0], $0xffff  }
0x1e1: {  	s28 =	sor.u32 s9, s10;
	s9 =	simm.s32 $0x3;
	v5 =	vld.idx.msk [tilespmem:v5+s5+$0x0], $0xffff;
	[tilespmem:s4+$0xD080] =	vst v3  }
0x1e2: {  	s4 =	sand.u32 $0x3, s9;
	v3 =	vld [tilespmem:s28+$0x8880]  }
0x1e3: {  	v2 =	vld.idx.msk [tilespmem:v2+s5+$0x0], $0xffff;
	s4 =	sshll.u32 s4, $0x5  }
0x1e4: {  	v7 =	vld.idx.msk [tilespmem:v7+s5+$0x0], $0xffff;
	s24 =	sadd.s32 $0x300, s4  }
0x1e5: {  	s31 =	simm.s32 $0xA0;
	v11 =	vld.idx.msk [tilespmem:v11+s5+$0x0], $0xffff;
	[tilespmem:s14+$0xD080] =	vst v0;
	s4 =	sadd.s32 $0x10, s24  }
0x1e6: {  	s9 =	sor.u32 $0x380, s19;
	s19 =	simm.s32 $0x500;
	v0 =	vld [tilespmem:s14+$0x4180];
	[tilespmem:s3+$0xD300] =	vst v5;
	s10 =	sor.u32 $0x300, s4  }
0x1e7: {  	s16 =	sand.u32 $0x60, s31;
	s17 =	sand.u32 $0x3C00, s19;
	v5 =	vld [tilespmem:s10+$0x4080]  }
0x1e8: {  	s29 =	sor.u32 s16, s17;
	v15 =	vld.idx.msk [tilespmem:v15+s5+$0x0], $0xffff  }
0x1e9: {  	v59 =	vld [tilespmem:s29+$0x4080]  }
0x1ea: {  	[tilespmem:s26+$0xD080] =	vst v11;
	v11 =	vld.idx.msk [tilespmem:v3+s5+$0x0], $0xffff  }
0x1eb: {  	v3 =	vld.idx.msk [tilespmem:v54+s5+$0x0], $0xffff  }
0x1ec: {  	[tilespmem:s13+$0xD080] =	vst v2;
	v2 =	vld.idx.msk [tilespmem:v9+s5+$0x0], $0xffff  }
0x1ed: {  	v60 =	vld [tilespmem:s29+$0x4100];
	[tilespmem:s14+$0xD100] =	vst v15  }
0x1ee: {  	v0 =	vld.idx.msk [tilespmem:v0+s5+$0x0], $0xffff  }
0x1ef: {  	[tilespmem:s11+$0xD280] =	vst v6;
	v5 =	vld.idx.msk [tilespmem:v5+s5+$0x0], $0xffff  }
0x1f0: {  	[tilespmem:s26+$0xD100] =	vst v3;
	v3 =	vld.idx.msk [tilespmem:v8+s5+$0x0], $0xffff  }
0x1f1: {  	v9 =	vld [tilespmem:s14+$0x4280]  }
0x1f2: {  	v13 =	vld.idx.msk [tilespmem:v59+s5+$0x0], $0xffff  }
0x1f3: {  	v61 =	vld [tilespmem:s29+$0x4180];
	[tilespmem:s14+$0xD180] =	vst v0  }
0x1f4: {  	s4 =	sor.u32 $0x380, s4;
	v6 =	vld.idx.msk [tilespmem:v55+s5+$0x0], $0xffff;
	[tilespmem:s10+$0xD080] =	vst v5  }
0x1f5: {  	[tilespmem:s11+$0xD300] =	vst v3;
	v3 =	vld [tilespmem:s4+$0x4080]  }
0x1f6: {  	v58 =	vld.idx.msk [tilespmem:v57+s5+$0x0], $0xffff  }
0x1f7: {  	v8 =	vld [tilespmem:s9+$0x4080];
	[tilespmem:s29+$0xD080] =	vst v13  }
0x1f8: {  	v14 =	vld.idx.msk [tilespmem:v60+s5+$0x0], $0xffff  }
0x1f9: {  	s3 =	sor.u32 $0x300, s24;
	[tilespmem:s21+$0xD080] =	vst v2;
	s10 =	sor.u32 $0x10, s16;
	v5 =	vld [tilespmem:s14+$0x4300]  }
0x1fa: {  	s21 =	sor.u32 s10, s17;
	[tilespmem:s26+$0xD180] =	vst v6;
	v6 =	vld [tilespmem:s3+$0x4080]  }
0x1fb: {  	v2 =	vld [tilespmem:s21+$0x4080];
	[tilespmem:s14+$0xD200] =	vst v58  }
0x1fc: {  	v9 =	vld.idx.msk [tilespmem:v9+s5+$0x0], $0xffff  }
0x1fd: {  	s11 =	simm.s32 $0x88A0;
	v3 =	vld.idx.msk [tilespmem:v3+s5+$0x0], $0xffff  }
0x1fe: {  	v0 =	vld [tilespmem:s11+$0x0]  }
0x1ff: {  	v17 =	vld [tilespmem:s21+$0x4100]  }
0x200: {  	v10 =	vld.idx.msk [tilespmem:v10+s5+$0x0], $0xffff  }
0x201: {  	s20 =	sand.u32 $0x780, s20;
	v62 =	vld [tilespmem:s21+$0x4180];
	[tilespmem:s14+$0xD280] =	vst v9  }
0x202: {  	v9 =	vld.idx.msk [tilespmem:v5+s5+$0x0], $0xffff;
	[tilespmem:s4+$0xD080] =	vst v3;
	s4 =	sor.u32 s20, s23;
	s20 =	simm.s32 $0x4  }
0x203: {  	[tilespmem:s8+$0x11880] =	vst v4;
	s8 =	simm.s32 $0x11880;
	v18 =	vld.idx.msk [tilespmem:v2+s5+$0x0], $0xffff;
	s16 =	sand.u32 $0x3, s20  }
0x204: {  	[tilespmem:s8+$0x0] =	vst v7;
	v7 =	vld [tilespmem:s21+$0x4280];
	s13 =	sshll.u32 s16, $0x5  }
0x205: {  	v4 =	vld.idx.msk [tilespmem:v8+s5+$0x0], $0xffff;
	[tilespmem:s26+$0xD200] =	vst v10;
	s13 =	sadd.s32 $0x400, s13  }
0x206: {  	v16 =	vld.idx.msk [tilespmem:v16+s5+$0x0], $0xffff;
	s17 =	sadd.s32 $0x10, s13  }
0x207: {  	v3 =	vld [tilespmem:s4+$0x8880];
	[tilespmem:s14+$0xD300] =	vst v9;
	s23 =	sor.u32 $0x300, s17  }
0x208: {  	[tilespmem:s21+$0xD080] =	vst v18;
	v10 =	vld [tilespmem:s23+$0x4080]  }
0x209: {  	v9 =	vld.idx.msk [tilespmem:v17+s5+$0x0], $0xffff  }
0x20a: {  	v2 =	vld [tilespmem:s29+$0x4280]  }
0x20b: {  	[tilespmem:s15+$0x11880] =	vst v1;
	v1 =	vld.idx.msk [tilespmem:v6+s5+$0x0], $0xffff  }
0x20c: {  	v6 =	vld [tilespmem:s21+$0x4200]  }
0x20d: {  	v5 =	vld [tilespmem:s29+$0x4200];
	[tilespmem:s26+$0xD280] =	vst v16  }
0x20e: {  	v12 =	vld.idx.msk [tilespmem:v56+s5+$0x0], $0xffff;
	[tilespmem:s21+$0xD100] =	vst v9  }
0x20f: {  	[tilespmem:s28+$0x11880] =	vst v11;
	v11 =	vld.idx.msk [tilespmem:v62+s5+$0x0], $0xffff  }
0x210: {  	v10 =	vld.idx.msk [tilespmem:v10+s5+$0x0], $0xffff  }
0x211: {  	[tilespmem:s29+$0xD100] =	vst v14;
	v63 =	vld.idx.msk [tilespmem:v3+s5+$0x0], $0xffff  }
0x212: {  	s15 =	sor.u32 $0x380, s24;
	[tilespmem:s3+$0xD080] =	vst v1;
	v9 =	vld.idx.msk [tilespmem:v61+s5+$0x0], $0xffff  }
0x213: {  	v1 =	vld [tilespmem:s15+$0x4080];
	[tilespmem:s26+$0xD300] =	vst v12  }
0x214: {  	v3 =	vld [tilespmem:s29+$0x4300];
	[tilespmem:s21+$0xD180] =	vst v11  }
0x215: {  	s7 =	simm.s32 $0x400;
	s24 =	sor.u32 $0x300, s13;
	s14 =	sor.u32 $0x380, s17;
	v8 =	vld.idx.msk [tilespmem:v6+s5+$0x0], $0xffff;
	[tilespmem:s23+$0xD080] =	vst v10  }
0x216: {  	s28 =	sor.u32 $0x380, s13;
	s26 =	simm.s32 $0x500;
	[tilespmem:s4+$0x11880] =	vst v63;
	s23 =	simm.s32 $0xA0;
	v6 =	vld [tilespmem:s14+$0x4080]  }
.LBB2_5:
0x217: {  	s31 =	sadd.s32 $0x20, s31;
	[tilespmem:s29+$0xD180] =	vst v9;
	v9 =	vld [tilespmem:s24+$0x4080]  }
0x218: {  	s19 =	sadd.s32 $0x100, s19;
	s11 =	sadd.s32 $0x20, s11;
	s3 =	sand.u32 $0x60, s31;
	v5 =	vld.idx.msk [tilespmem:v5+s5+$0x0], $0xffff;
	[tilespmem:s9+$0xD080] =	vst v4  }
0x219: {  	s4 =	sand.u32 $0x3C00, s19;
	p1 =	slt.u32 s31, $0x7E0;
	s13 =	sor.u32 $0x10, s3;
	v4 =	vld [tilespmem:s11+$0x0]  }
0x21a: {  	s9 =	smov.u32 s15;
	s3 =	sor.u32 s3, s4;
	s4 =	sor.u32 s13, s4;
	v10 =	vld.idx.msk [tilespmem:v0+s5+$0x0], $0xffff  }
0x21b: {  	s15 =	smov.u32 s28;
	v11 =	vld [tilespmem:s4+$0x4080]  }
0x21c: {  	[tilespmem:s21+$0xD200] =	vst v8;
	v8 =	vld [tilespmem:s21+$0x4300]  }
0x21d: {  	v7 =	vld.idx.msk [tilespmem:v7+s5+$0x0], $0xffff  }
0x21e: {  	[tilespmem:s29+$0xD200] =	vst v5;
	v5 =	vld.idx.msk [tilespmem:v6+s5+$0x0], $0xffff;
	v0 =	vmov v4  }
0x21f: {  	s8 =	sadd.s32 $0x20, s8;
	v4 =	vld [tilespmem:s3+$0x4080]  }
0x220: {  	v6 =	vld [tilespmem:s3+$0x4100];
	[tilespmem:s8+$0x0] =	vst v10  }
0x221: {  	v10 =	vld [tilespmem:s3+$0x4180]  }
0x222: {  	v12 =	vld [tilespmem:s4+$0x4100]  }
0x223: {  	s16 =	sand.u32 $0x780, s1;
	s1 =	smov.u32 s23;
	s23 =	smov.u32 s31;
	v11 =	vld.idx.msk [tilespmem:v11+s5+$0x0], $0xffff;
	[tilespmem:s21+$0xD280] =	vst v7  }
0x224: {  	v7 =	vld.idx.msk [tilespmem:v8+s5+$0x0], $0xffff;
	[tilespmem:s14+$0xD080] =	vst v5;
	s14 =	sor.u32 s16, s18;
	s18 =	smov.u32 s10;
	s10 =	smov.u32 s13  }
0x225: {  	s20 =	sadd.s32 $0x1, s20;
	v8 =	vld [tilespmem:s14+$0x8880]  }
0x226: {  	s13 =	sand.u32 $0x3, s20;
	v5 =	vld [tilespmem:s3+$0x4200]  }
0x227: {  	s13 =	sshll.u32 s13, $0x5;
	v4 =	vld.idx.msk [tilespmem:v4+s5+$0x0], $0xffff  }
0x228: {  	s13 =	sadd.s32 s13, s26;
	s26 =	smov.u32 s19;
	v13 =	vld [tilespmem:s3+$0x4280]  }
0x229: {  	s16 =	sor.u32 $0x300, s13;
	s28 =	sor.u32 $0x380, s13;
	s13 =	sadd.s32 $0x10, s13;
	[tilespmem:s4+$0xD080] =	vst v11;
	v11 =	vld [tilespmem:s4+$0x4180]  }
0x22a: {  	s17 =	sor.u32 $0x300, s13;
	v12 =	vld.idx.msk [tilespmem:v12+s5+$0x0], $0xffff;
	[tilespmem:s21+$0xD300] =	vst v7;
	s21 =	smov.u32 s4  }
0x22b: {  	v7 =	vld [tilespmem:s17+$0x4080]  }
0x22c: {  	v14 =	vld.idx.msk [tilespmem:v2+s5+$0x0], $0xffff  }
0x22d: {  	[tilespmem:s3+$0xD080] =	vst v4;
	v4 =	vld.idx.msk [tilespmem:v8+s5+$0x0], $0xffff;
	v2 =	vmov v13  }
0x22e: {  	v6 =	vld.idx.msk [tilespmem:v6+s5+$0x0], $0xffff  }
0x22f: {  	v8 =	vld [tilespmem:s3+$0x4300]  }
0x230: {  	v13 =	vld.idx.msk [tilespmem:v9+s5+$0x0], $0xffff  }
0x231: {  	[tilespmem:s21+$0xD100] =	vst v12;
	v12 =	vld [tilespmem:s21+$0x4200]  }
0x232: {  	v11 =	vld.idx.msk [tilespmem:v11+s5+$0x0], $0xffff;
	[tilespmem:s29+$0xD280] =	vst v14  }
0x233: {  	v14 =	vld.idx.msk [tilespmem:v7+s5+$0x0], $0xffff;
	[tilespmem:s14+$0x11880] =	vst v4  }
0x234: {  	[tilespmem:s3+$0xD100] =	vst v6;
	v6 =	vld.idx.msk [tilespmem:v3+s5+$0x0], $0xffff;
	v3 =	vmov v8  }
0x235: {  	v9 =	vld.idx.msk [tilespmem:v10+s5+$0x0], $0xffff  }
.Ltmp3:
0x236: {  	[tilespmem:s24+$0xD080] =	vst v13;
	v4 =	vld.idx.msk [tilespmem:v1+s5+$0x0], $0xffff;
	s24 =	smov.u32 s16;
	(pc) =	sbr.rel @p1 .LBB2_5-.Ltmp3, $4  }
0x237: {  	v1 =	vld [tilespmem:s15+$0x4080]  }
0x238: {  	[tilespmem:s21+$0xD180] =	vst v11;
	v7 =	vld [tilespmem:s21+$0x4280]  }
0x239: {  	s14 =	sor.u32 $0x380, s13;
	v8 =	vld.idx.msk [tilespmem:v12+s5+$0x0], $0xffff;
	[tilespmem:s17+$0xD080] =	vst v14  }
0x23a: {  	[tilespmem:s29+$0xD300] =	vst v6;
	v6 =	vld [tilespmem:s14+$0x4080];
	s29 =	smov.u32 s3  }
0x23b: {  	_ =	sdelay $0x2  }
0x23c: {  	[tilespmem:s29+$0xD180] =	vst v9  }
0x23d: {  	v5 =	vld.idx.msk [tilespmem:v5+s5+$0x0], $0xffff;
	_ =	sdelay $0x2  }
0x23e: {  	v55 =	vld [tilespmem:s21+$0x4300]  }
0x23f: {  	[tilespmem:s21+$0xD200] =	vst v8  }
0x240: {  	v7 =	vld.idx.msk [tilespmem:v7+s5+$0x0], $0xffff;
	[tilespmem:s29+$0xD200] =	vst v5  }
0x241: {  	v2 =	vld.idx.msk [tilespmem:v2+s5+$0x0], $0xffff;
	_ =	sdelay $0x3  }
0x242: {  	[tilespmem:s21+$0xD280] =	vst v7  }
0x243: {  	s3 =	sadd.s32 $0x1, s20;
	v56 =	vld.idx.msk [tilespmem:v55+s5+$0x0], $0xffff;
	[tilespmem:s29+$0xD280] =	vst v2  }
0x244: {  	s3 =	sand.u32 $0x3, s3;
	v2 =	vld.idx.msk [tilespmem:v3+s5+$0x0], $0xffff  }
0x245: {  	s3 =	sshll.u32 s3, $0x5  }
0x246: {  	s3 =	sadd.s32 s3, s26  }
0x247: {  	s4 =	sadd.s32 $0x10, s3  }
0x248: {  	v58 =	vld [tilespmem:s24+$0x4080];
	s13 =	sor.u32 $0x300, s4;
	[tilespmem:s21+$0xD300] =	vst v56  }
0x249: {  	s16 =	sor.u32 $0x300, s3;
	v57 =	vld [tilespmem:s13+$0x4080];
	[tilespmem:s29+$0xD300] =	vst v2  }
0x24a: {  	v2 =	vld [tilespmem:s16+$0x4080];
	_ =	sdelay $0x5  }
0x24b: {  	v5 =	vld.idx.msk [tilespmem:v58+s5+$0x0], $0xffff  }
0x24c: {  	v3 =	vld.idx.msk [tilespmem:v57+s5+$0x0], $0xffff  }
0x24d: {  	v2 =	vld.idx.msk [tilespmem:v2+s5+$0x0], $0xffff;
	_ =	sdelay $0x2  }
0x24e: {  	[tilespmem:s24+$0xD080] =	vst v5  }
0x24f: {  	s4 =	sor.u32 $0x380, s4;
	v5 =	vld [tilespmem:s28+$0x4080];
	[tilespmem:s13+$0xD080] =	vst v3  }
0x250: {  	s3 =	sor.u32 $0x380, s3;
	v3 =	vld [tilespmem:s4+$0x4080];
	[tilespmem:s16+$0xD080] =	vst v2  }
0x251: {  	v2 =	vld [tilespmem:s3+$0x4080];
	_ =	sdelay $0x3  }
0x252: {  	v6 =	vld.idx.msk [tilespmem:v6+s5+$0x0], $0xffff  }
0x253: {  	v1 =	vld.idx.msk [tilespmem:v1+s5+$0x0], $0xffff  }
0x254: {  	v5 =	vld.idx.msk [tilespmem:v5+s5+$0x0], $0xffff  }
0x255: {  	v3 =	vld.idx.msk [tilespmem:v3+s5+$0x0], $0xffff  }
0x256: {  	s1 =	sand.u32 $0x780, s1;
	[tilespmem:s9+$0xD080] =	vst v4;
	s17 =	sadd.s32 $0x20, s11;
	v2 =	vld.idx.msk [tilespmem:v2+s5+$0x0], $0xffff  }
0x257: {  	s1 =	sor.u32 s1, s18;
	v60 =	vld [tilespmem:s17+$0x0];
	[tilespmem:s14+$0xD080] =	vst v6  }
0x258: {  	s9 =	sadd.s32 $0x20, s17;
	[tilespmem:s15+$0xD080] =	vst v1;
	v59 =	vld [tilespmem:s1+$0x8880]  }
0x259: {  	s18 =	sand.u32 $0x780, s23;
	v62 =	vld [tilespmem:s9+$0x0];
	s9 =	sadd.s32 $0x20, s9;
	[tilespmem:s28+$0xD080] =	vst v5  }
0x25a: {  	s19 =	sor.u32 s18, s10;
	v5 =	vld [tilespmem:s9+$0x0];
	[tilespmem:s4+$0xD080] =	vst v3  }
0x25b: {  	s20 =	sadd.s32 $0x20, s9;
	v61 =	vld [tilespmem:s19+$0x8880];
	[tilespmem:s3+$0xD080] =	vst v2  }
0x25c: {  	v2 =	vld [tilespmem:s20+$0x0];
	_ =	sdelay $0x1  }
0x25d: {  	v0 =	vld.idx.msk [tilespmem:v0+s5+$0x0], $0xffff  }
0x25e: {  	v6 =	vld.idx.msk [tilespmem:v60+s5+$0x0], $0xffff  }
0x25f: {  	v4 =	vld.idx.msk [tilespmem:v59+s5+$0x0], $0xffff  }
0x260: {  	v3 =	vld.idx.msk [tilespmem:v62+s5+$0x0], $0xffff  }
0x261: {  	s21 =	sadd.s32 $0x20, s8;
	v63 =	vld.idx.msk [tilespmem:v5+s5+$0x0], $0xffff  }
0x262: {  	[tilespmem:s21+$0x0] =	vst v0;
	s23 =	sadd.s32 $0x20, s21;
	v1 =	vld.idx.msk [tilespmem:v61+s5+$0x0], $0xffff  }
0x263: {  	[tilespmem:s23+$0x0] =	vst v6;
	v2 =	vld.idx.msk [tilespmem:v2+s5+$0x0], $0xffff  }
0x264: {  	[tilespmem:s1+$0x11880] =	vst v4;
	s1 =	sadd.s32 $0x20, s23  }
0x265: {  	s24 =	sor.u32 $0x800, s0;
	[tilespmem:s1+$0x0] =	vst v3;
	s1 =	sadd.s32 $0x20, s1  }
0x266: {  	s26 =	rddreg [dreg:$0x2];
	s3 =	smin.u32 s24, $0x2480;
	[tilespmem:s1+$0x0] =	vst v63  }
.Ltmp4:
0x267: {  	s3 =	sadd.s32 s6, s3;
	s1 =	sadd.s32 $0x20, s1;
	[tilespmem:s19+$0x11880] =	vst v1;
	(pc) =	sbr.rel @p0 .LBB2_8-.Ltmp4, $4  }
0x268: {  	s28 =	simm.s32 $0xD080;
	[tilespmem:s1+$0x0] =	vst v2;
	s1 =	sadd.s32 s26, s3  }
0x269: {  	[hbm4b:s1+s5] =	stream.linear.scatter [tilespmem:s28], [sflag:$0x4], $0x4000, $0x38;
	[tilespmem:$0x12080] =	vst v63  }
0x26a: {  	s31 =	simm.s32 $0x11880;
	s29 =	sadd.s32 s3, s12;
	s3 =	simm.s32 $0x80  }
0x26b: {  	[hbm4b:s29+s3] =	stream.strided.scatter [tilespmem:s31], [sflag:$0x4], $0x800, s7, s3, $0x38;
	[tilespmem:$0x12080] =	vst v63  }
0x26c: {  	s1 =	rddreg [dreg:$0x9]  }
0x26d: {  	s0 =	smin.u32 s0, $0xC80;
	s26 =	rddreg [dreg:$0x1];
	s4 =	simm.s32 $0x4080  }
.Ltmp5:
0x26e: {  	s28 =	rddreg [dreg:$0xb];
	s0 =	sadd.s32 s0, s1;
	(pc) =	sbr.rel .LBB2_2-.Ltmp5, $4  }
0x26f: {  	s29 =	simm.s32 $0x400;
	s7 =	simm.s32 $0x80;
	s1 =	sadd.s32 s26, s0  }
0x270: {  	[tilespmem:s4], [sflag:$0x2] =	stream.linear.gather [hbm4b:s1+s5], $0x4000, $0x38;
	[tilespmem:$0x12080] =	vst v63  }
0x271: {  	s31 =	simm.s32 $0x8880;
	s2 =	sadd.s32 $0x1, s2;
	s0 =	sadd.s32 s0, s28  }
0x272: {  	[tilespmem:s31], [sflag:$0x2] =	stream.strided.gather [hbm4b:s0+s3], $0x800, s29, s3, $0x38;
	[tilespmem:$0x12080] =	vst v63  }
.LBB2_9:
0x273: {  	_ =	sfence.sel $0x180000  }
0x274: {  	[bflag:$0x0] =	sbarrier.arrive $0xFFFF  }
0x275: {  	_ =	strace $0x90000047  }
0x276: {  	s0 =	stileid.u32;
	[bflag:$0x2] =	sbarrier.arrive $0xFFFF  }
0x277: {  	p0 =	sne.s32 s0, $0x0;
	s0 =	rddreg [dreg:$0x3]  }
0x278: {  	s0 =	sadd.s32 @!p0 $0x100000, s0  }
0x279: {  	[sflag:s0] =	ssyncadd.tile.s32 @!p0 $0x1;
	_ =	shalt  }
.Lfunc_end2:
_tile_overlayer_lowered:
.L_overlay_start_2:
0x27a: {  	(tag) =	ssettag $0x2  }
0x27b: {  	s0 =	rddreg [dreg:$0x0];
	s2 =	stileid.u32  }
0x27c: {  	s1 =	rddreg [dreg:$0x1];
	p0 =	sne.s32 s2, $0x0  }
0x27d: {  	s3 =	rddreg [dreg:$0x2];
	[bflag:$0x3] =	sbarrier.arrive $0xFFFF;
	s2 =	simm.s32 @!p0 $0x1C05  }
0x27e: {  	[timem:s3], [sflag:s2] =	dma.local @!p0 [hbm:s0], s1  }
0x27f: {  	s0 =	simm.s32 @!p0 $0x5  }
0x280: {  	_ =	swait.ge @!p0 [sflag:s0], s1  }
0x281: {  	s1 =	ssub.s32 @!p0 $0x0, s1;
	[sflag:s0] =	ssyncset.done @!p0 $0x0  }
0x282: {  	[sflag:s0] =	ssyncadd.s32 @!p0 s1  }
0x283: {  	[bflag:$0x3] =	sbarrier.arrive $0xFFFF  }
0x284: {  	_ =	shalt  }

</sc_bundles>
